<compile_context>
chip_gen: v7x
topology: tpu7x:2x2x1
jax: 0.10.2.dev20260603
libtpu: 0.0.44.dev20260713+nightly
codegen_flags: <defaults>
</compile_context>

<pallas_src>
import functools

import jax
import jax.numpy as jnp
from jax import lax
from jax.experimental import pallas as pl
from jax.experimental.pallas import tpu as pltpu
from jax.experimental.pallas import tpu_sc as plsc

_N = 10000
_D = 128
_E = 320000
_NROWS = 10112
_NC = 2
_NS = 16
_CHUNK = 128
_G = _E // _CHUNK
_G0 = _G // 2
_RPT = _NROWS // _NS
_SLOPE = 0.2


def _dense_body(x_ref, wt_ref, b_ref, a2_ref, tab_ref, w1_ref):
    x = x_ref[...]
    h = jnp.dot(x, wt_ref[...], preferred_element_type=jnp.float32) + b_ref[...]
    x12 = jnp.where(h > 0, h, _SLOPE * h)
    e2 = jnp.dot(x12, a2_ref[...], preferred_element_type=jnp.float32)
    w = jnp.exp(e2 - jnp.max(e2))
    tab_ref[...] = h * w
    w1_ref[...] = jnp.reshape(w, (_N,))


def _stripe_copy(src_fn, dst_fn):
    full, rem = _RPT // _CHUNK, _RPT % _CHUNK
    for k in range(full):
        pltpu.sync_copy(src_fn(k * _CHUNK, _CHUNK), dst_fn(k * _CHUNK, _CHUNK))
    if rem:
        pltpu.sync_copy(src_fn(full * _CHUNK, rem), dst_fn(full * _CHUNK, rem))


def _sc_scatter(ei_hbm, table_hbm, w_hbm, zeros_hbm, zeros1_hbm,
                out_hbm, den_hbm,
                acc, den, col_a, col_b, row_a, row_b, srow_a, srow_b,
                rows_a, rows_b, wv_a, wv_b,
                sem_a, sem_b, isem_a, isem_b, ssem_a, ssem_b):
    c = lax.axis_index("c")
    s = lax.axis_index("s")
    r0 = s * _RPT
    pltpu.sync_copy(zeros_hbm, rows_a)
    pltpu.sync_copy(zeros1_hbm, wv_a)
    _stripe_copy(lambda o, n: rows_a.at[pl.ds(0, n)],
                 lambda o, n: acc.at[pl.ds(r0 + o, n)])
    _stripe_copy(lambda o, n: wv_a.at[pl.ds(0, n)],
                 lambda o, n: den.at[pl.ds(r0 + o, n)])
    plsc.subcore_barrier()

    pairs0 = _G0 // 2
    pairs1 = _G // 2 - pairs0
    pc = pairs0 + c * (pairs1 - pairs0)
    q, r = pc // _NS, pc % _NS
    extra = jnp.where(s < r, 1, 0).astype(jnp.int32)
    np_ = q + extra
    start = 2 * (c * pairs0 + s * q + jnp.minimum(s, r))

    def gather(cbuf, buf, wv, sem):
        pltpu.async_copy(table_hbm.at[cbuf], buf, sem)
        pltpu.async_copy(w_hbm.at[cbuf], wv, sem)

    def wait_gather(cbuf, buf, wv, sem):
        pltpu.make_async_copy(table_hbm.at[cbuf], buf, sem).wait()
        pltpu.make_async_copy(w_hbm.at[cbuf], wv, sem).wait()

    def scat(rbuf, buf, wv, ssem):
        pltpu.async_copy(buf, acc.at[rbuf], ssem, add=True)
        pltpu.async_copy(wv, den.at[rbuf], ssem, add=True)

    def wait_scat(rbuf, buf, wv, ssem):
        pltpu.make_async_copy(buf, acc.at[rbuf], ssem).wait()
        pltpu.make_async_copy(wv, den.at[rbuf], ssem).wait()

    def copy_idx(src, dst):
        for k in range(_CHUNK // 16):
            dst[pl.ds(k * 16, 16)] = src[pl.ds(k * 16, 16)]

    def fetch_idx(j, cbuf, rbuf, isem):
        base = (start + j) * _CHUNK
        pltpu.async_copy(ei_hbm.at[1, pl.ds(base, _CHUNK)], cbuf, isem)
        pltpu.async_copy(ei_hbm.at[0, pl.ds(base, _CHUNK)], rbuf, isem)

    def wait_idx(j, cbuf, rbuf, isem):
        base = (start + j) * _CHUNK
        pltpu.make_async_copy(
            ei_hbm.at[1, pl.ds(base, _CHUNK)], cbuf, isem).wait()
        pltpu.make_async_copy(
            ei_hbm.at[0, pl.ds(base, _CHUNK)], rbuf, isem).wait()

    fetch_idx(0, col_a, row_a, isem_a)
    wait_idx(0, col_a, row_a, isem_a)
    gather(col_a, rows_a, wv_a, sem_a)
    fetch_idx(1, col_b, row_b, isem_b)
    wait_idx(1, col_b, row_b, isem_b)

    def body(i, carry):
        ja = 2 * i
        gather(col_b, rows_b, wv_b, sem_b)
        wait_gather(col_a, rows_a, wv_a, sem_a)
        copy_idx(row_a, srow_a)
        fetch_idx(ja + 2, col_a, row_a, isem_a)
        scat(srow_a, rows_a, wv_a, ssem_a)
        wait_idx(ja + 2, col_a, row_a, isem_a)
        wait_scat(srow_a, rows_a, wv_a, ssem_a)
        gather(col_a, rows_a, wv_a, sem_a)
        wait_gather(col_b, rows_b, wv_b, sem_b)
        copy_idx(row_b, srow_b)
        fetch_idx(ja + 3, col_b, row_b, isem_b)
        scat(srow_b, rows_b, wv_b, ssem_b)
        wait_idx(ja + 3, col_b, row_b, isem_b)
        wait_scat(srow_b, rows_b, wv_b, ssem_b)
        return carry

    lax.fori_loop(0, np_ - 1, body, 0)
    gather(col_b, rows_b, wv_b, sem_b)
    wait_gather(col_a, rows_a, wv_a, sem_a)
    scat(row_a, rows_a, wv_a, ssem_a)
    wait_gather(col_b, rows_b, wv_b, sem_b)
    scat(row_b, rows_b, wv_b, ssem_b)
    wait_scat(row_a, rows_a, wv_a, ssem_a)
    wait_scat(row_b, rows_b, wv_b, ssem_b)
    plsc.subcore_barrier()
    _stripe_copy(lambda o, n: acc.at[pl.ds(r0 + o, n)],
                 lambda o, n: out_hbm.at[c, pl.ds(r0 + o, n)])

    def den_out(o, n):
        pltpu.sync_copy(den.at[pl.ds(r0 + o, n)], wv_a.at[pl.ds(0, n)])
        pltpu.sync_copy(wv_a.at[pl.ds(0, n)],
                        den_hbm.at[pl.ds(c * _NROWS + r0 + o, n)])

    for k in range(_RPT // _CHUNK):
        den_out(k * _CHUNK, _CHUNK)
    if _RPT % _CHUNK:
        den_out((_RPT // _CHUNK) * _CHUNK, _RPT % _CHUNK)


def _norm_body(a0_ref, a1_ref, t_ref, d_ref, o_ref):
    num = a0_ref[0] + a1_ref[0] + t_ref[...]
    o_ref[...] = num / d_ref[...]


def kernel(x, edge_index, W1_w, W1_b, a1, a2):
    del a1
    table, w = pl.pallas_call(
        _dense_body,
        out_shape=[jax.ShapeDtypeStruct((_N, _D), jnp.float32),
                   jax.ShapeDtypeStruct((_N,), jnp.float32)],
    )(x, W1_w.T, W1_b.reshape(1, _D), a2.reshape(_D, 1))

    ei = edge_index.astype(jnp.int32)
    zeros_tile = jnp.zeros((_CHUNK, _D), jnp.float32)
    zeros_one = jnp.zeros((_CHUNK,), jnp.float32)

    scatter = functools.partial(
        pl.kernel,
        out_type=[jax.ShapeDtypeStruct((_NC, _NROWS, _D), jnp.float32),
                  jax.ShapeDtypeStruct((_NC * _NROWS,), jnp.float32)],
        mesh=plsc.VectorSubcoreMesh(core_axis_name="c", subcore_axis_name="s"),
        compiler_params=pltpu.CompilerParams(use_tc_tiling_on_sc=True),
        scratch_types=[
            pltpu.VMEM_SHARED((_NROWS, _D), jnp.float32),
            pltpu.VMEM_SHARED((_NROWS,), jnp.float32),
            pltpu.VMEM((_CHUNK,), jnp.int32),
            pltpu.VMEM((_CHUNK,), jnp.int32),
            pltpu.VMEM((_CHUNK,), jnp.int32),
            pltpu.VMEM((_CHUNK,), jnp.int32),
            pltpu.VMEM((_CHUNK,), jnp.int32),
            pltpu.VMEM((_CHUNK,), jnp.int32),
            pltpu.VMEM((_CHUNK, _D), jnp.float32),
            pltpu.VMEM((_CHUNK, _D), jnp.float32),
            pltpu.VMEM((_CHUNK,), jnp.float32),
            pltpu.VMEM((_CHUNK,), jnp.float32),
            pltpu.SemaphoreType.DMA,
            pltpu.SemaphoreType.DMA,
            pltpu.SemaphoreType.DMA,
            pltpu.SemaphoreType.DMA,
            pltpu.SemaphoreType.DMA,
            pltpu.SemaphoreType.DMA,
        ],
    )(_sc_scatter)
    acc, denp = scatter(ei, table, w, zeros_tile, zeros_one)
    dsum = (denp[:_N] + denp[_NROWS:_NROWS + _N] + w).reshape(_N, 1)

    nb = _N // 10
    out = pl.pallas_call(
        _norm_body,
        grid=(10,),
        in_specs=[
            pl.BlockSpec((1, nb, _D), lambda i: (0, i, 0)),
            pl.BlockSpec((1, nb, _D), lambda i: (1, i, 0)),
            pl.BlockSpec((nb, _D), lambda i: (i, 0)),
            pl.BlockSpec((nb, 1), lambda i: (i, 0)),
        ],
        out_specs=pl.BlockSpec((nb, _D), lambda i: (i, 0)),
        out_shape=jax.ShapeDtypeStruct((_N, _D), jnp.float32),
    )(acc, acc, table, dsum)
    return out

# --- scband reference (transcript-rebuilt; emitter-appended) ---
"""Pipeline reference for scband-gatv2-attention-head-38835094290621 (READ-ONLY COPY).

The authoritative reference and input builder live on the scoring server;
editing this copy changes nothing except your own understanding.
"""

import jax, jax.numpy as jnp
import numpy as np

N = 10000
E = 320000
D_IN = 128
D_OUT = 128
SLOPE = 0.2


def setup_inputs(seed: int = 0) -> dict:
    key = jax.random.key(seed)
    k1, k2, k3, k4, k5, k6 = jax.random.split(key, 6)
    x = jax.random.normal(k1, (N, D_IN), dtype=jnp.float32)
    edge_index = jax.random.randint(k2, (2, E), 0, N)
    # xavier_uniform with leaky_relu gain for W1
    gain = float(np.sqrt(2.0 / (1.0 + SLOPE ** 2)))
    bw = gain * float(np.sqrt(6.0 / (D_IN + D_OUT)))
    W1_w = jax.random.uniform(k3, (D_OUT, D_IN), minval=-bw, maxval=bw, dtype=jnp.float32)
    bb = 1.0 / float(np.sqrt(D_IN))
    W1_b = jax.random.uniform(k4, (D_OUT,), minval=-bb, maxval=bb, dtype=jnp.float32)
    # xavier_uniform gain=1 for attention vectors a1, a2 (shape (1, out) -> stored as (out,))
    ba = float(np.sqrt(6.0 / (D_OUT + 1)))
    a1 = jax.random.uniform(k5, (D_OUT,), minval=-ba, maxval=ba, dtype=jnp.float32)
    a2 = jax.random.uniform(k6, (D_OUT,), minval=-ba, maxval=ba, dtype=jnp.float32)
    return {"x": x, "edge_index": edge_index, "W1_w": W1_w, "W1_b": W1_b, "a1": a1, "a2": a2}


def reference(x, edge_index, W1_w, W1_b, a1, a2):
    n = x.shape[0]
    loops = jnp.arange(n, dtype=edge_index.dtype)
    row = jnp.concatenate([edge_index[0], loops])  # source / sparse dim-0 index
    col = jnp.concatenate([edge_index[1], loops])  # target / sparse dim-1 index
    # Linear W1 (weight sharing: W2 = W1; feature_update W = W2 = W1)
    h = x @ W1_w.T + W1_b  # [N, D_OUT], this is W(x) used for feature update
    x12 = jax.nn.leaky_relu(h, negative_slope=SLOPE)  # x1 == x2 due to weight sharing
    e1 = x12 @ a1  # [N]
    e2 = x12 @ a2  # [N]
    vals = e1[row] + e2[col]  # attention logits per edge
    # sparse softmax over dim=1 (per row of the sparse matrix)
    vmax = jax.ops.segment_max(vals, row, num_segments=n)
    vmax = jax.lax.stop_gradient(vmax)
    ex = jnp.exp(vals - vmax[row])
    denom = jax.ops.segment_sum(ex, row, num_segments=n)
    alpha = ex / denom[row]
    # sparse mm: out[i] = sum_j alpha[i,j] * h[j]
    out = jax.ops.segment_sum(alpha[:, None] * h[col], row, num_segments=n)
    return out

if __name__ == "__main__":
    import jax
    _d = setup_inputs()
    print(jax.jit(kernel)(*tuple(_d.values())))

</pallas_src>

<mosaic_0001>
#map = affine_map<(d0, d1) -> (0, 0)>
#map1 = affine_map<(d0, d1) -> (0)>
#map2 = affine_map<(d0, d1) -> (0, 0, 0)>
module attributes {stable_mosaic.version = 14 : i64} {
  func.func @_sc_scatter(%arg0: i32, %arg1: i32, %arg2: memref<2x320000xi32, #tpu.memory_space<hbm>>, %arg3: memref<10000x128xf32, #tpu.memory_space<hbm>>, %arg4: memref<10000xf32, #tpu.memory_space<hbm>>, %arg5: memref<128x128xf32, #tpu.memory_space<hbm>>, %arg6: memref<128xf32, #tpu.memory_space<hbm>>, %arg7: memref<2x10112x128xf32, #tpu.memory_space<hbm>>, %arg8: memref<20224xf32, #tpu.memory_space<hbm>>, %arg9: memref<10112x128xf32, #tpu.memory_space<vmem_shared>>, %arg10: memref<10112xf32, #tpu.memory_space<vmem_shared>>, %arg11: memref<128xi32, #tpu.memory_space<vmem>>, %arg12: memref<128xi32, #tpu.memory_space<vmem>>, %arg13: memref<128xi32, #tpu.memory_space<vmem>>, %arg14: memref<128xi32, #tpu.memory_space<vmem>>, %arg15: memref<128xi32, #tpu.memory_space<vmem>>, %arg16: memref<128xi32, #tpu.memory_space<vmem>>, %arg17: memref<128x128xf32, #tpu.memory_space<vmem>>, %arg18: memref<128x128xf32, #tpu.memory_space<vmem>>, %arg19: memref<128xf32, #tpu.memory_space<vmem>>, %arg20: memref<128xf32, #tpu.memory_space<vmem>>, %arg21: memref<!tpu.dma_semaphore, #tpu.memory_space<semaphore_mem>>, %arg22: memref<!tpu.dma_semaphore, #tpu.memory_space<semaphore_mem>>, %arg23: memref<!tpu.dma_semaphore, #tpu.memory_space<semaphore_mem>>, %arg24: memref<!tpu.dma_semaphore, #tpu.memory_space<semaphore_mem>>, %arg25: memref<!tpu.dma_semaphore, #tpu.memory_space<semaphore_mem>>, %arg26: memref<!tpu.dma_semaphore, #tpu.memory_space<semaphore_mem>>) attributes {dimension_semantics = [#tpu.dimension_semantics<core_parallel>, #tpu.dimension_semantics<subcore_parallel>], iteration_bounds = array<i64: 2, 16>, scalar_prefetch = 0 : i64, scratch_operands = 18 : i64, tpu.core_type = #tpu.core_type<sc_vector_subcore>, window_params = [{transform_indices = #map}, {transform_indices = #map}, {transform_indices = #map1}, {transform_indices = #map}, {transform_indices = #map1}, {transform_indices = #map2}, {transform_indices = #map1}]} {
    %mul3A = arith.constant 632 : i32
    %mul3A_0 = arith.muli %arg1, %mul3A : i32
    "tpu.region"() ({
      %run_scoped3A = tpu.sem_alloc : memref<!tpu.dma_semaphore, #tpu.memory_space<semaphore_mem>>
      tpu.enqueue_dma source(%arg5 : memref<128x128xf32, #tpu.memory_space<hbm>>) target(%arg17 : memref<128x128xf32, #tpu.memory_space<vmem>>) target_semaphore(%run_scoped3A : memref<!tpu.dma_semaphore, #tpu.memory_space<semaphore_mem>>)
      tpu.wait_dma2 semaphore(%run_scoped3A : memref<!tpu.dma_semaphore, #tpu.memory_space<semaphore_mem>>) src(%arg5 : memref<128x128xf32, #tpu.memory_space<hbm>>) dst(%arg17 : memref<128x128xf32, #tpu.memory_space<vmem>>)
      tpu.yield
    }) : () -> ()
    "tpu.region"() ({
      %run_scoped3A = tpu.sem_alloc : memref<!tpu.dma_semaphore, #tpu.memory_space<semaphore_mem>>
      tpu.enqueue_dma source(%arg6 : memref<128xf32, #tpu.memory_space<hbm>>) target(%arg19 : memref<128xf32, #tpu.memory_space<vmem>>) target_semaphore(%run_scoped3A : memref<!tpu.dma_semaphore, #tpu.memory_space<semaphore_mem>>)
      tpu.wait_dma2 semaphore(%run_scoped3A : memref<!tpu.dma_semaphore, #tpu.memory_space<semaphore_mem>>) src(%arg6 : memref<128xf32, #tpu.memory_space<hbm>>) dst(%arg19 : memref<128xf32, #tpu.memory_space<vmem>>)
      tpu.yield
    }) : () -> ()
    %add3A = arith.constant 0 : i32
    %add3A_1 = arith.addi %mul3A_0, %add3A : i32
    "tpu.region"() ({
      %run_scoped3A = tpu.sem_alloc : memref<!tpu.dma_semaphore, #tpu.memory_space<semaphore_mem>>
      %dma_start3A_227 = arith.constant 0 : i32
      %dma_start3A_228 = arith.constant 0 : i32
      %dma_start3A_229 = tpu.memref_slice %arg17[%dma_start3A_227, %dma_start3A_228] : memref<128x128xf32, #tpu.memory_space<vmem>> -> memref<128x128xf32, #tpu.memory_space<vmem>>
      %dma_start3A_230 = arith.constant 0 : i32
      %dma_start3A_231 = tpu.memref_slice %arg9[%add3A_1, %dma_start3A_230] : memref<10112x128xf32, #tpu.memory_space<vmem_shared>> -> memref<128x128xf32, #tpu.memory_space<vmem_shared>>
      %dma_start3A_232 = arith.constant 0 : i32
      %dma_start3A_233 = tpu.memref_slice %arg9[%add3A_1, %dma_start3A_232] : memref<10112x128xf32, #tpu.memory_space<vmem_shared>> -> memref<128x128xf32, #tpu.memory_space<vmem_shared>>
      %dma_start3A_234 = arith.constant 0 : i32
      %dma_start3A_235 = arith.constant 0 : i32
      %dma_start3A_236 = tpu.memref_slice %arg17[%dma_start3A_234, %dma_start3A_235] : memref<128x128xf32, #tpu.memory_space<vmem>> -> memref<128x128xf32, #tpu.memory_space<vmem>>
      tpu.enqueue_dma source(%dma_start3A_236 : memref<128x128xf32, #tpu.memory_space<vmem>>) target(%dma_start3A_233 : memref<128x128xf32, #tpu.memory_space<vmem_shared>>) target_semaphore(%run_scoped3A : memref<!tpu.dma_semaphore, #tpu.memory_space<semaphore_mem>>)
      %dma_wait3A_237 = arith.constant 0 : i32
      %dma_wait3A_238 = arith.constant 0 : i32
      %dma_wait3A_239 = tpu.memref_slice %arg17[%dma_wait3A_237, %dma_wait3A_238] : memref<128x128xf32, #tpu.memory_space<vmem>> -> memref<128x128xf32, #tpu.memory_space<vmem>>
      %dma_wait3A_240 = arith.constant 0 : i32
      %dma_wait3A_241 = tpu.memref_slice %arg9[%add3A_1, %dma_wait3A_240] : memref<10112x128xf32, #tpu.memory_space<vmem_shared>> -> memref<128x128xf32, #tpu.memory_space<vmem_shared>>
      %dma_wait3A_242 = arith.constant 0 : i32
      %dma_wait3A_243 = tpu.memref_slice %arg9[%add3A_1, %dma_wait3A_242] : memref<10112x128xf32, #tpu.memory_space<vmem_shared>> -> memref<128x128xf32, #tpu.memory_space<vmem_shared>>
      %dma_wait3A_244 = arith.constant 0 : i32
      %dma_wait3A_245 = arith.constant 0 : i32
      %dma_wait3A_246 = tpu.memref_slice %arg17[%dma_wait3A_244, %dma_wait3A_245] : memref<128x128xf32, #tpu.memory_space<vmem>> -> memref<128x128xf32, #tpu.memory_space<vmem>>
      tpu.wait_dma2 semaphore(%run_scoped3A : memref<!tpu.dma_semaphore, #tpu.memory_space<semaphore_mem>>) src(%dma_wait3A_246 : memref<128x128xf32, #tpu.memory_space<vmem>>) dst(%dma_wait3A_243 : memref<128x128xf32, #tpu.memory_space<vmem_shared>>)
      tpu.yield
    }) : () -> ()
    %add3A_2 = arith.constant 128 : i32
    %add3A_3 = arith.addi %mul3A_0, %add3A_2 : i32
    "tpu.region"() ({
      %run_scoped3A = tpu.sem_alloc : memref<!tpu.dma_semaphore, #tpu.memory_space<semaphore_mem>>
      %dma_start3A_227 = arith.constant 0 : i32
      %dma_start3A_228 = arith.constant 0 : i32
      %dma_start3A_229 = tpu.memref_slice %arg17[%dma_start3A_227, %dma_start3A_228] : memref<128x128xf32, #tpu.memory_space<vmem>> -> memref<128x128xf32, #tpu.memory_space<vmem>>
      %dma_start3A_230 = arith.constant 0 : i32
      %dma_start3A_231 = tpu.memref_slice %arg9[%add3A_3, %dma_start3A_230] : memref<10112x128xf32, #tpu.memory_space<vmem_shared>> -> memref<128x128xf32, #tpu.memory_space<vmem_shared>>
      %dma_start3A_232 = arith.constant 0 : i32
      %dma_start3A_233 = tpu.memref_slice %arg9[%add3A_3, %dma_start3A_232] : memref<10112x128xf32, #tpu.memory_space<vmem_shared>> -> memref<128x128xf32, #tpu.memory_space<vmem_shared>>
      %dma_start3A_234 = arith.constant 0 : i32
      %dma_start3A_235 = arith.constant 0 : i32
      %dma_start3A_236 = tpu.memref_slice %arg17[%dma_start3A_234, %dma_start3A_235] : memref<128x128xf32, #tpu.memory_space<vmem>> -> memref<128x128xf32, #tpu.memory_space<vmem>>
      tpu.enqueue_dma source(%dma_start3A_236 : memref<128x128xf32, #tpu.memory_space<vmem>>) target(%dma_start3A_233 : memref<128x128xf32, #tpu.memory_space<vmem_shared>>) target_semaphore(%run_scoped3A : memref<!tpu.dma_semaphore, #tpu.memory_space<semaphore_mem>>)
      %dma_wait3A_237 = arith.constant 0 : i32
      %dma_wait3A_238 = arith.constant 0 : i32
      %dma_wait3A_239 = tpu.memref_slice %arg17[%dma_wait3A_237, %dma_wait3A_238] : memref<128x128xf32, #tpu.memory_space<vmem>> -> memref<128x128xf32, #tpu.memory_space<vmem>>
      %dma_wait3A_240 = arith.constant 0 : i32
      %dma_wait3A_241 = tpu.memref_slice %arg9[%add3A_3, %dma_wait3A_240] : memref<10112x128xf32, #tpu.memory_space<vmem_shared>> -> memref<128x128xf32, #tpu.memory_space<vmem_shared>>
      %dma_wait3A_242 = arith.constant 0 : i32
      %dma_wait3A_243 = tpu.memref_slice %arg9[%add3A_3, %dma_wait3A_242] : memref<10112x128xf32, #tpu.memory_space<vmem_shared>> -> memref<128x128xf32, #tpu.memory_space<vmem_shared>>
      %dma_wait3A_244 = arith.constant 0 : i32
      %dma_wait3A_245 = arith.constant 0 : i32
      %dma_wait3A_246 = tpu.memref_slice %arg17[%dma_wait3A_244, %dma_wait3A_245] : memref<128x128xf32, #tpu.memory_space<vmem>> -> memref<128x128xf32, #tpu.memory_space<vmem>>
      tpu.wait_dma2 semaphore(%run_scoped3A : memref<!tpu.dma_semaphore, #tpu.memory_space<semaphore_mem>>) src(%dma_wait3A_246 : memref<128x128xf32, #tpu.memory_space<vmem>>) dst(%dma_wait3A_243 : memref<128x128xf32, #tpu.memory_space<vmem_shared>>)
      tpu.yield
    }) : () -> ()
    %add3A_4 = arith.constant 256 : i32
    %add3A_5 = arith.addi %mul3A_0, %add3A_4 : i32
    "tpu.region"() ({
      %run_scoped3A = tpu.sem_alloc : memref<!tpu.dma_semaphore, #tpu.memory_space<semaphore_mem>>
      %dma_start3A_227 = arith.constant 0 : i32
      %dma_start3A_228 = arith.constant 0 : i32
      %dma_start3A_229 = tpu.memref_slice %arg17[%dma_start3A_227, %dma_start3A_228] : memref<128x128xf32, #tpu.memory_space<vmem>> -> memref<128x128xf32, #tpu.memory_space<vmem>>
      %dma_start3A_230 = arith.constant 0 : i32
      %dma_start3A_231 = tpu.memref_slice %arg9[%add3A_5, %dma_start3A_230] : memref<10112x128xf32, #tpu.memory_space<vmem_shared>> -> memref<128x128xf32, #tpu.memory_space<vmem_shared>>
      %dma_start3A_232 = arith.constant 0 : i32
      %dma_start3A_233 = tpu.memref_slice %arg9[%add3A_5, %dma_start3A_232] : memref<10112x128xf32, #tpu.memory_space<vmem_shared>> -> memref<128x128xf32, #tpu.memory_space<vmem_shared>>
      %dma_start3A_234 = arith.constant 0 : i32
      %dma_start3A_235 = arith.constant 0 : i32
      %dma_start3A_236 = tpu.memref_slice %arg17[%dma_start3A_234, %dma_start3A_235] : memref<128x128xf32, #tpu.memory_space<vmem>> -> memref<128x128xf32, #tpu.memory_space<vmem>>
      tpu.enqueue_dma source(%dma_start3A_236 : memref<128x128xf32, #tpu.memory_space<vmem>>) target(%dma_start3A_233 : memref<128x128xf32, #tpu.memory_space<vmem_shared>>) target_semaphore(%run_scoped3A : memref<!tpu.dma_semaphore, #tpu.memory_space<semaphore_mem>>)
      %dma_wait3A_237 = arith.constant 0 : i32
      %dma_wait3A_238 = arith.constant 0 : i32
      %dma_wait3A_239 = tpu.memref_slice %arg17[%dma_wait3A_237, %dma_wait3A_238] : memref<128x128xf32, #tpu.memory_space<vmem>> -> memref<128x128xf32, #tpu.memory_space<vmem>>
      %dma_wait3A_240 = arith.constant 0 : i32
      %dma_wait3A_241 = tpu.memref_slice %arg9[%add3A_5, %dma_wait3A_240] : memref<10112x128xf32, #tpu.memory_space<vmem_shared>> -> memref<128x128xf32, #tpu.memory_space<vmem_shared>>
      %dma_wait3A_242 = arith.constant 0 : i32
      %dma_wait3A_243 = tpu.memref_slice %arg9[%add3A_5, %dma_wait3A_242] : memref<10112x128xf32, #tpu.memory_space<vmem_shared>> -> memref<128x128xf32, #tpu.memory_space<vmem_shared>>
      %dma_wait3A_244 = arith.constant 0 : i32
      %dma_wait3A_245 = arith.constant 0 : i32
      %dma_wait3A_246 = tpu.memref_slice %arg17[%dma_wait3A_244, %dma_wait3A_245] : memref<128x128xf32, #tpu.memory_space<vmem>> -> memref<128x128xf32, #tpu.memory_space<vmem>>
      tpu.wait_dma2 semaphore(%run_scoped3A : memref<!tpu.dma_semaphore, #tpu.memory_space<semaphore_mem>>) src(%dma_wait3A_246 : memref<128x128xf32, #tpu.memory_space<vmem>>) dst(%dma_wait3A_243 : memref<128x128xf32, #tpu.memory_space<vmem_shared>>)
      tpu.yield
    }) : () -> ()
    %add3A_6 = arith.constant 384 : i32
    %add3A_7 = arith.addi %mul3A_0, %add3A_6 : i32
    "tpu.region"() ({
      %run_scoped3A = tpu.sem_alloc : memref<!tpu.dma_semaphore, #tpu.memory_space<semaphore_mem>>
      %dma_start3A_227 = arith.constant 0 : i32
      %dma_start3A_228 = arith.constant 0 : i32
      %dma_start3A_229 = tpu.memref_slice %arg17[%dma_start3A_227, %dma_start3A_228] : memref<128x128xf32, #tpu.memory_space<vmem>> -> memref<128x128xf32, #tpu.memory_space<vmem>>
      %dma_start3A_230 = arith.constant 0 : i32
      %dma_start3A_231 = tpu.memref_slice %arg9[%add3A_7, %dma_start3A_230] : memref<10112x128xf32, #tpu.memory_space<vmem_shared>> -> memref<128x128xf32, #tpu.memory_space<vmem_shared>>
      %dma_start3A_232 = arith.constant 0 : i32
      %dma_start3A_233 = tpu.memref_slice %arg9[%add3A_7, %dma_start3A_232] : memref<10112x128xf32, #tpu.memory_space<vmem_shared>> -> memref<128x128xf32, #tpu.memory_space<vmem_shared>>
      %dma_start3A_234 = arith.constant 0 : i32
      %dma_start3A_235 = arith.constant 0 : i32
      %dma_start3A_236 = tpu.memref_slice %arg17[%dma_start3A_234, %dma_start3A_235] : memref<128x128xf32, #tpu.memory_space<vmem>> -> memref<128x128xf32, #tpu.memory_space<vmem>>
      tpu.enqueue_dma source(%dma_start3A_236 : memref<128x128xf32, #tpu.memory_space<vmem>>) target(%dma_start3A_233 : memref<128x128xf32, #tpu.memory_space<vmem_shared>>) target_semaphore(%run_scoped3A : memref<!tpu.dma_semaphore, #tpu.memory_space<semaphore_mem>>)
      %dma_wait3A_237 = arith.constant 0 : i32
      %dma_wait3A_238 = arith.constant 0 : i32
      %dma_wait3A_239 = tpu.memref_slice %arg17[%dma_wait3A_237, %dma_wait3A_238] : memref<128x128xf32, #tpu.memory_space<vmem>> -> memref<128x128xf32, #tpu.memory_space<vmem>>
      %dma_wait3A_240 = arith.constant 0 : i32
      %dma_wait3A_241 = tpu.memref_slice %arg9[%add3A_7, %dma_wait3A_240] : memref<10112x128xf32, #tpu.memory_space<vmem_shared>> -> memref<128x128xf32, #tpu.memory_space<vmem_shared>>
      %dma_wait3A_242 = arith.constant 0 : i32
      %dma_wait3A_243 = tpu.memref_slice %arg9[%add3A_7, %dma_wait3A_242] : memref<10112x128xf32, #tpu.memory_space<vmem_shared>> -> memref<128x128xf32, #tpu.memory_space<vmem_shared>>
      %dma_wait3A_244 = arith.constant 0 : i32
      %dma_wait3A_245 = arith.constant 0 : i32
      %dma_wait3A_246 = tpu.memref_slice %arg17[%dma_wait3A_244, %dma_wait3A_245] : memref<128x128xf32, #tpu.memory_space<vmem>> -> memref<128x128xf32, #tpu.memory_space<vmem>>
      tpu.wait_dma2 semaphore(%run_scoped3A : memref<!tpu.dma_semaphore, #tpu.memory_space<semaphore_mem>>) src(%dma_wait3A_246 : memref<128x128xf32, #tpu.memory_space<vmem>>) dst(%dma_wait3A_243 : memref<128x128xf32, #tpu.memory_space<vmem_shared>>)
      tpu.yield
    }) : () -> ()
    %add3A_8 = arith.constant 512 : i32
    %add3A_9 = arith.addi %mul3A_0, %add3A_8 : i32
    "tpu.region"() ({
      %run_scoped3A = tpu.sem_alloc : memref<!tpu.dma_semaphore, #tpu.memory_space<semaphore_mem>>
      %dma_start3A_227 = arith.constant 0 : i32
      %dma_start3A_228 = arith.constant 0 : i32
      %dma_start3A_229 = tpu.memref_slice %arg17[%dma_start3A_227, %dma_start3A_228] : memref<128x128xf32, #tpu.memory_space<vmem>> -> memref<120x128xf32, #tpu.memory_space<vmem>>
      %dma_start3A_230 = arith.constant 0 : i32
      %dma_start3A_231 = tpu.memref_slice %arg9[%add3A_9, %dma_start3A_230] : memref<10112x128xf32, #tpu.memory_space<vmem_shared>> -> memref<120x128xf32, #tpu.memory_space<vmem_shared>>
      %dma_start3A_232 = arith.constant 0 : i32
      %dma_start3A_233 = tpu.memref_slice %arg9[%add3A_9, %dma_start3A_232] : memref<10112x128xf32, #tpu.memory_space<vmem_shared>> -> memref<120x128xf32, #tpu.memory_space<vmem_shared>>
      %dma_start3A_234 = arith.constant 0 : i32
      %dma_start3A_235 = arith.constant 0 : i32
      %dma_start3A_236 = tpu.memref_slice %arg17[%dma_start3A_234, %dma_start3A_235] : memref<128x128xf32, #tpu.memory_space<vmem>> -> memref<120x128xf32, #tpu.memory_space<vmem>>
      tpu.enqueue_dma source(%dma_start3A_236 : memref<120x128xf32, #tpu.memory_space<vmem>>) target(%dma_start3A_233 : memref<120x128xf32, #tpu.memory_space<vmem_shared>>) target_semaphore(%run_scoped3A : memref<!tpu.dma_semaphore, #tpu.memory_space<semaphore_mem>>)
      %dma_wait3A_237 = arith.constant 0 : i32
      %dma_wait3A_238 = arith.constant 0 : i32
      %dma_wait3A_239 = tpu.memref_slice %arg17[%dma_wait3A_237, %dma_wait3A_238] : memref<128x128xf32, #tpu.memory_space<vmem>> -> memref<120x128xf32, #tpu.memory_space<vmem>>
      %dma_wait3A_240 = arith.constant 0 : i32
      %dma_wait3A_241 = tpu.memref_slice %arg9[%add3A_9, %dma_wait3A_240] : memref<10112x128xf32, #tpu.memory_space<vmem_shared>> -> memref<120x128xf32, #tpu.memory_space<vmem_shared>>
      %dma_wait3A_242 = arith.constant 0 : i32
      %dma_wait3A_243 = tpu.memref_slice %arg9[%add3A_9, %dma_wait3A_242] : memref<10112x128xf32, #tpu.memory_space<vmem_shared>> -> memref<120x128xf32, #tpu.memory_space<vmem_shared>>
      %dma_wait3A_244 = arith.constant 0 : i32
      %dma_wait3A_245 = arith.constant 0 : i32
      %dma_wait3A_246 = tpu.memref_slice %arg17[%dma_wait3A_244, %dma_wait3A_245] : memref<128x128xf32, #tpu.memory_space<vmem>> -> memref<120x128xf32, #tpu.memory_space<vmem>>
      tpu.wait_dma2 semaphore(%run_scoped3A : memref<!tpu.dma_semaphore, #tpu.memory_space<semaphore_mem>>) src(%dma_wait3A_246 : memref<120x128xf32, #tpu.memory_space<vmem>>) dst(%dma_wait3A_243 : memref<120x128xf32, #tpu.memory_space<vmem_shared>>)
      tpu.yield
    }) : () -> ()
    %add3A_10 = arith.constant 0 : i32
    %add3A_11 = arith.addi %mul3A_0, %add3A_10 : i32
    "tpu.region"() ({
      %run_scoped3A = tpu.sem_alloc : memref<!tpu.dma_semaphore, #tpu.memory_space<semaphore_mem>>
      %dma_start3A_227 = arith.constant 0 : i32
      %dma_start3A_228 = tpu.memref_slice %arg19[%dma_start3A_227] : memref<128xf32, #tpu.memory_space<vmem>> -> memref<128xf32, #tpu.memory_space<vmem>>
      %dma_start3A_229 = tpu.memref_slice %arg10[%add3A_11] : memref<10112xf32, #tpu.memory_space<vmem_shared>> -> memref<128xf32, #tpu.memory_space<vmem_shared>>
      %dma_start3A_230 = tpu.memref_slice %arg10[%add3A_11] : memref<10112xf32, #tpu.memory_space<vmem_shared>> -> memref<128xf32, #tpu.memory_space<vmem_shared>>
      %dma_start3A_231 = arith.constant 0 : i32
      %dma_start3A_232 = tpu.memref_slice %arg19[%dma_start3A_231] : memref<128xf32, #tpu.memory_space<vmem>> -> memref<128xf32, #tpu.memory_space<vmem>>
      tpu.enqueue_dma source(%dma_start3A_232 : memref<128xf32, #tpu.memory_space<vmem>>) target(%dma_start3A_230 : memref<128xf32, #tpu.memory_space<vmem_shared>>) target_semaphore(%run_scoped3A : memref<!tpu.dma_semaphore, #tpu.memory_space<semaphore_mem>>)
      %dma_wait3A_233 = arith.constant 0 : i32
      %dma_wait3A_234 = tpu.memref_slice %arg19[%dma_wait3A_233] : memref<128xf32, #tpu.memory_space<vmem>> -> memref<128xf32, #tpu.memory_space<vmem>>
      %dma_wait3A_235 = tpu.memref_slice %arg10[%add3A_11] : memref<10112xf32, #tpu.memory_space<vmem_shared>> -> memref<128xf32, #tpu.memory_space<vmem_shared>>
      %dma_wait3A_236 = tpu.memref_slice %arg10[%add3A_11] : memref<10112xf32, #tpu.memory_space<vmem_shared>> -> memref<128xf32, #tpu.memory_space<vmem_shared>>
      %dma_wait3A_237 = arith.constant 0 : i32
      %dma_wait3A_238 = tpu.memref_slice %arg19[%dma_wait3A_237] : memref<128xf32, #tpu.memory_space<vmem>> -> memref<128xf32, #tpu.memory_space<vmem>>
      tpu.wait_dma2 semaphore(%run_scoped3A : memref<!tpu.dma_semaphore, #tpu.memory_space<semaphore_mem>>) src(%dma_wait3A_238 : memref<128xf32, #tpu.memory_space<vmem>>) dst(%dma_wait3A_236 : memref<128xf32, #tpu.memory_space<vmem_shared>>)
      tpu.yield
    }) : () -> ()
    %add3A_12 = arith.constant 128 : i32
    %add3A_13 = arith.addi %mul3A_0, %add3A_12 : i32
    "tpu.region"() ({
      %run_scoped3A = tpu.sem_alloc : memref<!tpu.dma_semaphore, #tpu.memory_space<semaphore_mem>>
      %dma_start3A_227 = arith.constant 0 : i32
      %dma_start3A_228 = tpu.memref_slice %arg19[%dma_start3A_227] : memref<128xf32, #tpu.memory_space<vmem>> -> memref<128xf32, #tpu.memory_space<vmem>>
      %dma_start3A_229 = tpu.memref_slice %arg10[%add3A_13] : memref<10112xf32, #tpu.memory_space<vmem_shared>> -> memref<128xf32, #tpu.memory_space<vmem_shared>>
      %dma_start3A_230 = tpu.memref_slice %arg10[%add3A_13] : memref<10112xf32, #tpu.memory_space<vmem_shared>> -> memref<128xf32, #tpu.memory_space<vmem_shared>>
      %dma_start3A_231 = arith.constant 0 : i32
      %dma_start3A_232 = tpu.memref_slice %arg19[%dma_start3A_231] : memref<128xf32, #tpu.memory_space<vmem>> -> memref<128xf32, #tpu.memory_space<vmem>>
      tpu.enqueue_dma source(%dma_start3A_232 : memref<128xf32, #tpu.memory_space<vmem>>) target(%dma_start3A_230 : memref<128xf32, #tpu.memory_space<vmem_shared>>) target_semaphore(%run_scoped3A : memref<!tpu.dma_semaphore, #tpu.memory_space<semaphore_mem>>)
      %dma_wait3A_233 = arith.constant 0 : i32
      %dma_wait3A_234 = tpu.memref_slice %arg19[%dma_wait3A_233] : memref<128xf32, #tpu.memory_space<vmem>> -> memref<128xf32, #tpu.memory_space<vmem>>
      %dma_wait3A_235 = tpu.memref_slice %arg10[%add3A_13] : memref<10112xf32, #tpu.memory_space<vmem_shared>> -> memref<128xf32, #tpu.memory_space<vmem_shared>>
      %dma_wait3A_236 = tpu.memref_slice %arg10[%add3A_13] : memref<10112xf32, #tpu.memory_space<vmem_shared>> -> memref<128xf32, #tpu.memory_space<vmem_shared>>
      %dma_wait3A_237 = arith.constant 0 : i32
      %dma_wait3A_238 = tpu.memref_slice %arg19[%dma_wait3A_237] : memref<128xf32, #tpu.memory_space<vmem>> -> memref<128xf32, #tpu.memory_space<vmem>>
      tpu.wait_dma2 semaphore(%run_scoped3A : memref<!tpu.dma_semaphore, #tpu.memory_space<semaphore_mem>>) src(%dma_wait3A_238 : memref<128xf32, #tpu.memory_space<vmem>>) dst(%dma_wait3A_236 : memref<128xf32, #tpu.memory_space<vmem_shared>>)
      tpu.yield
    }) : () -> ()
    %add3A_14 = arith.constant 256 : i32
    %add3A_15 = arith.addi %mul3A_0, %add3A_14 : i32
    "tpu.region"() ({
      %run_scoped3A = tpu.sem_alloc : memref<!tpu.dma_semaphore, #tpu.memory_space<semaphore_mem>>
      %dma_start3A_227 = arith.constant 0 : i32
      %dma_start3A_228 = tpu.memref_slice %arg19[%dma_start3A_227] : memref<128xf32, #tpu.memory_space<vmem>> -> memref<128xf32, #tpu.memory_space<vmem>>
      %dma_start3A_229 = tpu.memref_slice %arg10[%add3A_15] : memref<10112xf32, #tpu.memory_space<vmem_shared>> -> memref<128xf32, #tpu.memory_space<vmem_shared>>
      %dma_start3A_230 = tpu.memref_slice %arg10[%add3A_15] : memref<10112xf32, #tpu.memory_space<vmem_shared>> -> memref<128xf32, #tpu.memory_space<vmem_shared>>
      %dma_start3A_231 = arith.constant 0 : i32
      %dma_start3A_232 = tpu.memref_slice %arg19[%dma_start3A_231] : memref<128xf32, #tpu.memory_space<vmem>> -> memref<128xf32, #tpu.memory_space<vmem>>
      tpu.enqueue_dma source(%dma_start3A_232 : memref<128xf32, #tpu.memory_space<vmem>>) target(%dma_start3A_230 : memref<128xf32, #tpu.memory_space<vmem_shared>>) target_semaphore(%run_scoped3A : memref<!tpu.dma_semaphore, #tpu.memory_space<semaphore_mem>>)
      %dma_wait3A_233 = arith.constant 0 : i32
      %dma_wait3A_234 = tpu.memref_slice %arg19[%dma_wait3A_233] : memref<128xf32, #tpu.memory_space<vmem>> -> memref<128xf32, #tpu.memory_space<vmem>>
      %dma_wait3A_235 = tpu.memref_slice %arg10[%add3A_15] : memref<10112xf32, #tpu.memory_space<vmem_shared>> -> memref<128xf32, #tpu.memory_space<vmem_shared>>
      %dma_wait3A_236 = tpu.memref_slice %arg10[%add3A_15] : memref<10112xf32, #tpu.memory_space<vmem_shared>> -> memref<128xf32, #tpu.memory_space<vmem_shared>>
      %dma_wait3A_237 = arith.constant 0 : i32
      %dma_wait3A_238 = tpu.memref_slice %arg19[%dma_wait3A_237] : memref<128xf32, #tpu.memory_space<vmem>> -> memref<128xf32, #tpu.memory_space<vmem>>
      tpu.wait_dma2 semaphore(%run_scoped3A : memref<!tpu.dma_semaphore, #tpu.memory_space<semaphore_mem>>) src(%dma_wait3A_238 : memref<128xf32, #tpu.memory_space<vmem>>) dst(%dma_wait3A_236 : memref<128xf32, #tpu.memory_space<vmem_shared>>)
      tpu.yield
    }) : () -> ()
    %add3A_16 = arith.constant 384 : i32
    %add3A_17 = arith.addi %mul3A_0, %add3A_16 : i32
    "tpu.region"() ({
      %run_scoped3A = tpu.sem_alloc : memref<!tpu.dma_semaphore, #tpu.memory_space<semaphore_mem>>
      %dma_start3A_227 = arith.constant 0 : i32
      %dma_start3A_228 = tpu.memref_slice %arg19[%dma_start3A_227] : memref<128xf32, #tpu.memory_space<vmem>> -> memref<128xf32, #tpu.memory_space<vmem>>
      %dma_start3A_229 = tpu.memref_slice %arg10[%add3A_17] : memref<10112xf32, #tpu.memory_space<vmem_shared>> -> memref<128xf32, #tpu.memory_space<vmem_shared>>
      %dma_start3A_230 = tpu.memref_slice %arg10[%add3A_17] : memref<10112xf32, #tpu.memory_space<vmem_shared>> -> memref<128xf32, #tpu.memory_space<vmem_shared>>
      %dma_start3A_231 = arith.constant 0 : i32
      %dma_start3A_232 = tpu.memref_slice %arg19[%dma_start3A_231] : memref<128xf32, #tpu.memory_space<vmem>> -> memref<128xf32, #tpu.memory_space<vmem>>
      tpu.enqueue_dma source(%dma_start3A_232 : memref<128xf32, #tpu.memory_space<vmem>>) target(%dma_start3A_230 : memref<128xf32, #tpu.memory_space<vmem_shared>>) target_semaphore(%run_scoped3A : memref<!tpu.dma_semaphore, #tpu.memory_space<semaphore_mem>>)
      %dma_wait3A_233 = arith.constant 0 : i32
      %dma_wait3A_234 = tpu.memref_slice %arg19[%dma_wait3A_233] : memref<128xf32, #tpu.memory_space<vmem>> -> memref<128xf32, #tpu.memory_space<vmem>>
      %dma_wait3A_235 = tpu.memref_slice %arg10[%add3A_17] : memref<10112xf32, #tpu.memory_space<vmem_shared>> -> memref<128xf32, #tpu.memory_space<vmem_shared>>
      %dma_wait3A_236 = tpu.memref_slice %arg10[%add3A_17] : memref<10112xf32, #tpu.memory_space<vmem_shared>> -> memref<128xf32, #tpu.memory_space<vmem_shared>>
      %dma_wait3A_237 = arith.constant 0 : i32
      %dma_wait3A_238 = tpu.memref_slice %arg19[%dma_wait3A_237] : memref<128xf32, #tpu.memory_space<vmem>> -> memref<128xf32, #tpu.memory_space<vmem>>
      tpu.wait_dma2 semaphore(%run_scoped3A : memref<!tpu.dma_semaphore, #tpu.memory_space<semaphore_mem>>) src(%dma_wait3A_238 : memref<128xf32, #tpu.memory_space<vmem>>) dst(%dma_wait3A_236 : memref<128xf32, #tpu.memory_space<vmem_shared>>)
      tpu.yield
    }) : () -> ()
    %add3A_18 = arith.constant 512 : i32
    %add3A_19 = arith.addi %mul3A_0, %add3A_18 : i32
    "tpu.region"() ({
      %run_scoped3A = tpu.sem_alloc : memref<!tpu.dma_semaphore, #tpu.memory_space<semaphore_mem>>
      %dma_start3A_227 = arith.constant 0 : i32
      %dma_start3A_228 = tpu.memref_slice %arg19[%dma_start3A_227] : memref<128xf32, #tpu.memory_space<vmem>> -> memref<120xf32, #tpu.memory_space<vmem>>
      %dma_start3A_229 = tpu.memref_slice %arg10[%add3A_19] : memref<10112xf32, #tpu.memory_space<vmem_shared>> -> memref<120xf32, #tpu.memory_space<vmem_shared>>
      %dma_start3A_230 = tpu.memref_slice %arg10[%add3A_19] : memref<10112xf32, #tpu.memory_space<vmem_shared>> -> memref<120xf32, #tpu.memory_space<vmem_shared>>
      %dma_start3A_231 = arith.constant 0 : i32
      %dma_start3A_232 = tpu.memref_slice %arg19[%dma_start3A_231] : memref<128xf32, #tpu.memory_space<vmem>> -> memref<120xf32, #tpu.memory_space<vmem>>
      tpu.enqueue_dma source(%dma_start3A_232 : memref<120xf32, #tpu.memory_space<vmem>>) target(%dma_start3A_230 : memref<120xf32, #tpu.memory_space<vmem_shared>>) target_semaphore(%run_scoped3A : memref<!tpu.dma_semaphore, #tpu.memory_space<semaphore_mem>>)
      %dma_wait3A_233 = arith.constant 0 : i32
      %dma_wait3A_234 = tpu.memref_slice %arg19[%dma_wait3A_233] : memref<128xf32, #tpu.memory_space<vmem>> -> memref<120xf32, #tpu.memory_space<vmem>>
      %dma_wait3A_235 = tpu.memref_slice %arg10[%add3A_19] : memref<10112xf32, #tpu.memory_space<vmem_shared>> -> memref<120xf32, #tpu.memory_space<vmem_shared>>
      %dma_wait3A_236 = tpu.memref_slice %arg10[%add3A_19] : memref<10112xf32, #tpu.memory_space<vmem_shared>> -> memref<120xf32, #tpu.memory_space<vmem_shared>>
      %dma_wait3A_237 = arith.constant 0 : i32
      %dma_wait3A_238 = tpu.memref_slice %arg19[%dma_wait3A_237] : memref<128xf32, #tpu.memory_space<vmem>> -> memref<120xf32, #tpu.memory_space<vmem>>
      tpu.wait_dma2 semaphore(%run_scoped3A : memref<!tpu.dma_semaphore, #tpu.memory_space<semaphore_mem>>) src(%dma_wait3A_238 : memref<120xf32, #tpu.memory_space<vmem>>) dst(%dma_wait3A_236 : memref<120xf32, #tpu.memory_space<vmem_shared>>)
      tpu.yield
    }) : () -> ()
    %barrier3A = arith.constant 0 : index
    tpu.barrier barrier_id(%barrier3A)
    %mul3A_20 = arith.constant 0 : i32
    %mul3A_21 = arith.muli %arg0, %mul3A_20 : i32
    %add3A_22 = arith.constant 625 : i32
    %add3A_23 = arith.addi %add3A_22, %mul3A_21 : i32
    %jit3A = arith.constant 16 : i32
    %div3A = arith.divsi %add3A_23, %jit3A : i32
    %sign3A = arith.constant 0 : i32
    %sign3A_24 = arith.cmpi sgt, %add3A_23, %sign3A : i32
    %sign3A_25 = arith.extui %sign3A_24 : i1 to i32
    %sign3A_26 = arith.constant 0 : i32
    %sign3A_27 = arith.cmpi slt, %add3A_23, %sign3A_26 : i32
    %sign3A_28 = arith.extui %sign3A_27 : i1 to i32
    %sign3A_29 = arith.subi %sign3A_25, %sign3A_28 : i32
    %sign3A_30 = arith.constant 0 : i32
    %sign3A_31 = arith.cmpi sgt, %jit3A, %sign3A_30 : i32
    %sign3A_32 = arith.extui %sign3A_31 : i1 to i32
    %sign3A_33 = arith.constant 0 : i32
    %sign3A_34 = arith.cmpi slt, %jit3A, %sign3A_33 : i32
    %sign3A_35 = arith.extui %sign3A_34 : i1 to i32
    %sign3A_36 = arith.subi %sign3A_32, %sign3A_35 : i32
    %ne3A = arith.cmpi ne, %sign3A_29, %sign3A_36 : i32
    %rem3A = arith.remsi %add3A_23, %jit3A : i32
    %ne3A_37 = arith.constant 0 : i32
    %ne3A_38 = arith.cmpi ne, %rem3A, %ne3A_37 : i32
    %and3A = arith.andi %ne3A, %ne3A_38 : i1
    %sub3A = arith.constant 1 : i32
    %sub3A_39 = arith.subi %div3A, %sub3A : i32
    %select_n3A = arith.select %and3A, %sub3A_39, %div3A : i32
    %jit3A_40 = arith.constant 16 : i32
    %eq3A = arith.constant 0 : i32
    %eq3A_41 = arith.cmpi eq, %jit3A_40, %eq3A : i32
    %jit3A_42 = arith.constant 1 : i32
    %select_n3A_43 = arith.select %eq3A_41, %jit3A_42, %jit3A_40 : i32
    %rem3A_44 = arith.remsi %add3A_23, %select_n3A_43 : i32
    %ne3A_45 = arith.constant 0 : i32
    %ne3A_46 = arith.cmpi ne, %rem3A_44, %ne3A_45 : i32
    %lt3A = arith.constant 0 : i32
    %lt3A_47 = arith.cmpi slt, %rem3A_44, %lt3A : i32
    %lt3A_48 = arith.constant 0 : i32
    %lt3A_49 = arith.cmpi slt, %select_n3A_43, %lt3A_48 : i32
    %ne3A_50 = arith.xori %lt3A_47, %lt3A_49 : i1
    %and3A_51 = arith.andi %ne3A_50, %ne3A_46 : i1
    %add3A_52 = arith.addi %rem3A_44, %select_n3A_43 : i32
    %select_n3A_53 = arith.select %and3A_51, %add3A_52, %rem3A_44 : i32
    %lt3A_54 = arith.cmpi slt, %arg1, %select_n3A_53 : i32
    %jit3A_55 = arith.constant 1 : i32
    %jit3A_56 = arith.constant 0 : i32
    %select_n3A_57 = arith.select %lt3A_54, %jit3A_55, %jit3A_56 : i32
    %add3A_58 = arith.addi %select_n3A, %select_n3A_57 : i32
    %mul3A_59 = arith.constant 625 : i32
    %mul3A_60 = arith.muli %arg0, %mul3A_59 : i32
    %mul3A_61 = arith.muli %arg1, %select_n3A : i32
    %add3A_62 = arith.addi %mul3A_60, %mul3A_61 : i32
    %min3A = arith.minsi %arg1, %select_n3A_53 : i32
    %add3A_63 = arith.addi %add3A_62, %min3A : i32
    %mul3A_64 = arith.constant 2 : i32
    %mul3A_65 = arith.muli %mul3A_64, %add3A_63 : i32
    %add3A_66 = arith.constant 0 : i32
    %add3A_67 = arith.addi %mul3A_65, %add3A_66 : i32
    %mul3A_68 = arith.constant 128 : i32
    %mul3A_69 = arith.muli %add3A_67, %mul3A_68 : i32
    %dma_start3A = arith.constant 1 : i32
    %dma_start3A_70 = tpu.memref_slice %arg2[%dma_start3A, %mul3A_69] : memref<2x320000xi32, #tpu.memory_space<hbm>> -> memref<1x128xi32, #tpu.memory_space<hbm>>
    %dma_start3A_71 = tpu.memref_squeeze %dma_start3A_70 : memref<1x128xi32, #tpu.memory_space<hbm>> -> memref<128xi32, #tpu.memory_space<hbm>>
    %dma_start3A_72 = tpu.memref_slice %arg2[%dma_start3A, %mul3A_69] : memref<2x320000xi32, #tpu.memory_space<hbm>> -> memref<1x128xi32, #tpu.memory_space<hbm>>
    %dma_start3A_73 = tpu.memref_squeeze %dma_start3A_72 : memref<1x128xi32, #tpu.memory_space<hbm>> -> memref<128xi32, #tpu.memory_space<hbm>>
    tpu.enqueue_dma source(%dma_start3A_73 : memref<128xi32, #tpu.memory_space<hbm>>) target(%arg11 : memref<128xi32, #tpu.memory_space<vmem>>) target_semaphore(%arg23 : memref<!tpu.dma_semaphore, #tpu.memory_space<semaphore_mem>>)
    %dma_start3A_74 = arith.constant 0 : i32
    %dma_start3A_75 = tpu.memref_slice %arg2[%dma_start3A_74, %mul3A_69] : memref<2x320000xi32, #tpu.memory_space<hbm>> -> memref<1x128xi32, #tpu.memory_space<hbm>>
    %dma_start3A_76 = tpu.memref_squeeze %dma_start3A_75 : memref<1x128xi32, #tpu.memory_space<hbm>> -> memref<128xi32, #tpu.memory_space<hbm>>
    %dma_start3A_77 = tpu.memref_slice %arg2[%dma_start3A_74, %mul3A_69] : memref<2x320000xi32, #tpu.memory_space<hbm>> -> memref<1x128xi32, #tpu.memory_space<hbm>>
    %dma_start3A_78 = tpu.memref_squeeze %dma_start3A_77 : memref<1x128xi32, #tpu.memory_space<hbm>> -> memref<128xi32, #tpu.memory_space<hbm>>
    tpu.enqueue_dma source(%dma_start3A_78 : memref<128xi32, #tpu.memory_space<hbm>>) target(%arg13 : memref<128xi32, #tpu.memory_space<vmem>>) target_semaphore(%arg23 : memref<!tpu.dma_semaphore, #tpu.memory_space<semaphore_mem>>)
    %add3A_79 = arith.constant 0 : i32
    %add3A_80 = arith.addi %mul3A_65, %add3A_79 : i32
    %mul3A_81 = arith.constant 128 : i32
    %mul3A_82 = arith.muli %add3A_80, %mul3A_81 : i32
    %dma_wait3A = arith.constant 1 : i32
    %dma_wait3A_83 = tpu.memref_slice %arg2[%dma_wait3A, %mul3A_82] : memref<2x320000xi32, #tpu.memory_space<hbm>> -> memref<1x128xi32, #tpu.memory_space<hbm>>
    %dma_wait3A_84 = tpu.memref_squeeze %dma_wait3A_83 : memref<1x128xi32, #tpu.memory_space<hbm>> -> memref<128xi32, #tpu.memory_space<hbm>>
    %dma_wait3A_85 = tpu.memref_slice %arg2[%dma_wait3A, %mul3A_82] : memref<2x320000xi32, #tpu.memory_space<hbm>> -> memref<1x128xi32, #tpu.memory_space<hbm>>
    %dma_wait3A_86 = tpu.memref_squeeze %dma_wait3A_85 : memref<1x128xi32, #tpu.memory_space<hbm>> -> memref<128xi32, #tpu.memory_space<hbm>>
    tpu.wait_dma2 semaphore(%arg23 : memref<!tpu.dma_semaphore, #tpu.memory_space<semaphore_mem>>) src(%dma_wait3A_86 : memref<128xi32, #tpu.memory_space<hbm>>) dst(%arg11 : memref<128xi32, #tpu.memory_space<vmem>>)
    %dma_wait3A_87 = arith.constant 0 : i32
    %dma_wait3A_88 = tpu.memref_slice %arg2[%dma_wait3A_87, %mul3A_82] : memref<2x320000xi32, #tpu.memory_space<hbm>> -> memref<1x128xi32, #tpu.memory_space<hbm>>
    %dma_wait3A_89 = tpu.memref_squeeze %dma_wait3A_88 : memref<1x128xi32, #tpu.memory_space<hbm>> -> memref<128xi32, #tpu.memory_space<hbm>>
    %dma_wait3A_90 = tpu.memref_slice %arg2[%dma_wait3A_87, %mul3A_82] : memref<2x320000xi32, #tpu.memory_space<hbm>> -> memref<1x128xi32, #tpu.memory_space<hbm>>
    %dma_wait3A_91 = tpu.memref_squeeze %dma_wait3A_90 : memref<1x128xi32, #tpu.memory_space<hbm>> -> memref<128xi32, #tpu.memory_space<hbm>>
    tpu.wait_dma2 semaphore(%arg23 : memref<!tpu.dma_semaphore, #tpu.memory_space<semaphore_mem>>) src(%dma_wait3A_91 : memref<128xi32, #tpu.memory_space<hbm>>) dst(%arg13 : memref<128xi32, #tpu.memory_space<vmem>>)
    %dma_start3A_92 = arith.constant 0 : i32
    %dma_start3A_93 = arith.constant 0 : i32
    %dma_start3A_94 = tpu.memref_slice %arg3[%dma_start3A_92, %dma_start3A_93] : memref<10000x128xf32, #tpu.memory_space<hbm>> -> memref<10000x128xf32, #tpu.memory_space<hbm>>
    tpu.enqueue_indirect_dma source(%dma_start3A_94 : memref<10000x128xf32, #tpu.memory_space<hbm>>) target(%arg17 : memref<128x128xf32, #tpu.memory_space<vmem>>) offsets(%arg11 : memref<128xi32, #tpu.memory_space<vmem>>) semaphore(%arg21 : memref<!tpu.dma_semaphore, #tpu.memory_space<semaphore_mem>>)
    %dma_start3A_95 = arith.constant 0 : i32
    %dma_start3A_96 = tpu.memref_slice %arg4[%dma_start3A_95] : memref<10000xf32, #tpu.memory_space<hbm>> -> memref<10000xf32, #tpu.memory_space<hbm>>
    tpu.enqueue_indirect_dma source(%dma_start3A_96 : memref<10000xf32, #tpu.memory_space<hbm>>) target(%arg19 : memref<128xf32, #tpu.memory_space<vmem>>) offsets(%arg11 : memref<128xi32, #tpu.memory_space<vmem>>) semaphore(%arg21 : memref<!tpu.dma_semaphore, #tpu.memory_space<semaphore_mem>>)
    %add3A_97 = arith.constant 1 : i32
    %add3A_98 = arith.addi %mul3A_65, %add3A_97 : i32
    %mul3A_99 = arith.constant 128 : i32
    %mul3A_100 = arith.muli %add3A_98, %mul3A_99 : i32
    %dma_start3A_101 = arith.constant 1 : i32
    %dma_start3A_102 = tpu.memref_slice %arg2[%dma_start3A_101, %mul3A_100] : memref<2x320000xi32, #tpu.memory_space<hbm>> -> memref<1x128xi32, #tpu.memory_space<hbm>>
    %dma_start3A_103 = tpu.memref_squeeze %dma_start3A_102 : memref<1x128xi32, #tpu.memory_space<hbm>> -> memref<128xi32, #tpu.memory_space<hbm>>
    %dma_start3A_104 = tpu.memref_slice %arg2[%dma_start3A_101, %mul3A_100] : memref<2x320000xi32, #tpu.memory_space<hbm>> -> memref<1x128xi32, #tpu.memory_space<hbm>>
    %dma_start3A_105 = tpu.memref_squeeze %dma_start3A_104 : memref<1x128xi32, #tpu.memory_space<hbm>> -> memref<128xi32, #tpu.memory_space<hbm>>
    tpu.enqueue_dma source(%dma_start3A_105 : memref<128xi32, #tpu.memory_space<hbm>>) target(%arg12 : memref<128xi32, #tpu.memory_space<vmem>>) target_semaphore(%arg24 : memref<!tpu.dma_semaphore, #tpu.memory_space<semaphore_mem>>)
    %dma_start3A_106 = arith.constant 0 : i32
    %dma_start3A_107 = tpu.memref_slice %arg2[%dma_start3A_106, %mul3A_100] : memref<2x320000xi32, #tpu.memory_space<hbm>> -> memref<1x128xi32, #tpu.memory_space<hbm>>
    %dma_start3A_108 = tpu.memref_squeeze %dma_start3A_107 : memref<1x128xi32, #tpu.memory_space<hbm>> -> memref<128xi32, #tpu.memory_space<hbm>>
    %dma_start3A_109 = tpu.memref_slice %arg2[%dma_start3A_106, %mul3A_100] : memref<2x320000xi32, #tpu.memory_space<hbm>> -> memref<1x128xi32, #tpu.memory_space<hbm>>
    %dma_start3A_110 = tpu.memref_squeeze %dma_start3A_109 : memref<1x128xi32, #tpu.memory_space<hbm>> -> memref<128xi32, #tpu.memory_space<hbm>>
    tpu.enqueue_dma source(%dma_start3A_110 : memref<128xi32, #tpu.memory_space<hbm>>) target(%arg14 : memref<128xi32, #tpu.memory_space<vmem>>) target_semaphore(%arg24 : memref<!tpu.dma_semaphore, #tpu.memory_space<semaphore_mem>>)
    %add3A_111 = arith.constant 1 : i32
    %add3A_112 = arith.addi %mul3A_65, %add3A_111 : i32
    %mul3A_113 = arith.constant 128 : i32
    %mul3A_114 = arith.muli %add3A_112, %mul3A_113 : i32
    %dma_wait3A_115 = arith.constant 1 : i32
    %dma_wait3A_116 = tpu.memref_slice %arg2[%dma_wait3A_115, %mul3A_114] : memref<2x320000xi32, #tpu.memory_space<hbm>> -> memref<1x128xi32, #tpu.memory_space<hbm>>
    %dma_wait3A_117 = tpu.memref_squeeze %dma_wait3A_116 : memref<1x128xi32, #tpu.memory_space<hbm>> -> memref<128xi32, #tpu.memory_space<hbm>>
    %dma_wait3A_118 = tpu.memref_slice %arg2[%dma_wait3A_115, %mul3A_114] : memref<2x320000xi32, #tpu.memory_space<hbm>> -> memref<1x128xi32, #tpu.memory_space<hbm>>
    %dma_wait3A_119 = tpu.memref_squeeze %dma_wait3A_118 : memref<1x128xi32, #tpu.memory_space<hbm>> -> memref<128xi32, #tpu.memory_space<hbm>>
    tpu.wait_dma2 semaphore(%arg24 : memref<!tpu.dma_semaphore, #tpu.memory_space<semaphore_mem>>) src(%dma_wait3A_119 : memref<128xi32, #tpu.memory_space<hbm>>) dst(%arg12 : memref<128xi32, #tpu.memory_space<vmem>>)
    %dma_wait3A_120 = arith.constant 0 : i32
    %dma_wait3A_121 = tpu.memref_slice %arg2[%dma_wait3A_120, %mul3A_114] : memref<2x320000xi32, #tpu.memory_space<hbm>> -> memref<1x128xi32, #tpu.memory_space<hbm>>
    %dma_wait3A_122 = tpu.memref_squeeze %dma_wait3A_121 : memref<1x128xi32, #tpu.memory_space<hbm>> -> memref<128xi32, #tpu.memory_space<hbm>>
    %dma_wait3A_123 = tpu.memref_slice %arg2[%dma_wait3A_120, %mul3A_114] : memref<2x320000xi32, #tpu.memory_space<hbm>> -> memref<1x128xi32, #tpu.memory_space<hbm>>
    %dma_wait3A_124 = tpu.memref_squeeze %dma_wait3A_123 : memref<1x128xi32, #tpu.memory_space<hbm>> -> memref<128xi32, #tpu.memory_space<hbm>>
    tpu.wait_dma2 semaphore(%arg24 : memref<!tpu.dma_semaphore, #tpu.memory_space<semaphore_mem>>) src(%dma_wait3A_124 : memref<128xi32, #tpu.memory_space<hbm>>) dst(%arg14 : memref<128xi32, #tpu.memory_space<vmem>>)
    %sub3A_125 = arith.constant 1 : i32
    %sub3A_126 = arith.subi %add3A_58, %sub3A_125 : i32
    %while3A = arith.constant 0 : i32
    %while3A_127 = arith.constant 0 : i32
    %while3A_128 = arith.subi %sub3A_126, %while3A_127 : i32
    %while3A_129 = arith.addi %while3A_127, %while3A_128 : i32
    %while3A_130 = arith.constant 1 : i32
    %while3A_131 = arith.divsi %while3A_128, %while3A_130 : i32
    %while3A_132 = arith.muli %while3A_131, %while3A_130 : i32
    %while3A_133 = arith.addi %while3A_127, %while3A_132 : i32
    %while3A_134 = arith.constant 1 : i32
    scf.for %while3A_227 = %while3A_127 to %while3A_133 step %while3A_134  : i32 {
      %mul3A_228 = arith.constant 2 : i32
      %mul3A_229 = arith.muli %mul3A_228, %while3A_227 : i32
      %dma_start3A_230 = arith.constant 0 : i32
      %dma_start3A_231 = arith.constant 0 : i32
      %dma_start3A_232 = tpu.memref_slice %arg3[%dma_start3A_230, %dma_start3A_231] : memref<10000x128xf32, #tpu.memory_space<hbm>> -> memref<10000x128xf32, #tpu.memory_space<hbm>>
      tpu.enqueue_indirect_dma source(%dma_start3A_232 : memref<10000x128xf32, #tpu.memory_space<hbm>>) target(%arg18 : memref<128x128xf32, #tpu.memory_space<vmem>>) offsets(%arg12 : memref<128xi32, #tpu.memory_space<vmem>>) semaphore(%arg22 : memref<!tpu.dma_semaphore, #tpu.memory_space<semaphore_mem>>)
      %dma_start3A_233 = arith.constant 0 : i32
      %dma_start3A_234 = tpu.memref_slice %arg4[%dma_start3A_233] : memref<10000xf32, #tpu.memory_space<hbm>> -> memref<10000xf32, #tpu.memory_space<hbm>>
      tpu.enqueue_indirect_dma source(%dma_start3A_234 : memref<10000xf32, #tpu.memory_space<hbm>>) target(%arg20 : memref<128xf32, #tpu.memory_space<vmem>>) offsets(%arg12 : memref<128xi32, #tpu.memory_space<vmem>>) semaphore(%arg22 : memref<!tpu.dma_semaphore, #tpu.memory_space<semaphore_mem>>)
      %dma_wait3A_235 = arith.constant 0 : i32
      %dma_wait3A_236 = arith.constant 0 : i32
      %dma_wait3A_237 = tpu.memref_slice %arg3[%dma_wait3A_235, %dma_wait3A_236] : memref<10000x128xf32, #tpu.memory_space<hbm>> -> memref<10000x128xf32, #tpu.memory_space<hbm>>
      tpu.wait_indirect_dma semaphore(%arg21 : memref<!tpu.dma_semaphore, #tpu.memory_space<semaphore_mem>>) src(%dma_wait3A_237 : memref<10000x128xf32, #tpu.memory_space<hbm>>) dst(%arg17 : memref<128x128xf32, #tpu.memory_space<vmem>>)
      %dma_wait3A_238 = arith.constant 0 : i32
      %dma_wait3A_239 = tpu.memref_slice %arg4[%dma_wait3A_238] : memref<10000xf32, #tpu.memory_space<hbm>> -> memref<10000xf32, #tpu.memory_space<hbm>>
      tpu.wait_indirect_dma semaphore(%arg21 : memref<!tpu.dma_semaphore, #tpu.memory_space<semaphore_mem>>) src(%dma_wait3A_239 : memref<10000xf32, #tpu.memory_space<hbm>>) dst(%arg19 : memref<128xf32, #tpu.memory_space<vmem>>)
      %get3A = arith.constant 0 : index
      %get3A_240 = tpu.vector_load %arg13[%get3A] {strides = array<i32>} : memref<128xi32, #tpu.memory_space<vmem>>, vector<16xi32>,
      %get3A_241 = vector.shape_cast %get3A_240 : vector<16xi32> to vector<16xi32>
      %swap3A = arith.constant 0 : index
      %swap3A_242 = tpu.vector_load %arg15[%swap3A] {strides = array<i32>} : memref<128xi32, #tpu.memory_space<vmem>>, vector<16xi32>,
      %swap3A_243 = vector.shape_cast %swap3A_242 : vector<16xi32> to vector<16xi32>
      %swap3A_244 = vector.shape_cast %get3A_241 : vector<16xi32> to vector<16xi32>
      tpu.vector_store %arg15[%swap3A], %swap3A_244 {strides = array<i32>} : memref<128xi32, #tpu.memory_space<vmem>>, vector<16xi32>,
      %get3A_245 = arith.constant 16 : index
      %get3A_246 = tpu.vector_load %arg13[%get3A_245] {strides = array<i32>} : memref<128xi32, #tpu.memory_space<vmem>>, vector<16xi32>,
      %get3A_247 = vector.shape_cast %get3A_246 : vector<16xi32> to vector<16xi32>
      %swap3A_248 = arith.constant 16 : index
      %swap3A_249 = tpu.vector_load %arg15[%swap3A_248] {strides = array<i32>} : memref<128xi32, #tpu.memory_space<vmem>>, vector<16xi32>,
      %swap3A_250 = vector.shape_cast %swap3A_249 : vector<16xi32> to vector<16xi32>
      %swap3A_251 = vector.shape_cast %get3A_247 : vector<16xi32> to vector<16xi32>
      tpu.vector_store %arg15[%swap3A_248], %swap3A_251 {strides = array<i32>} : memref<128xi32, #tpu.memory_space<vmem>>, vector<16xi32>,
      %get3A_252 = arith.constant 32 : index
      %get3A_253 = tpu.vector_load %arg13[%get3A_252] {strides = array<i32>} : memref<128xi32, #tpu.memory_space<vmem>>, vector<16xi32>,
      %get3A_254 = vector.shape_cast %get3A_253 : vector<16xi32> to vector<16xi32>
      %swap3A_255 = arith.constant 32 : index
      %swap3A_256 = tpu.vector_load %arg15[%swap3A_255] {strides = array<i32>} : memref<128xi32, #tpu.memory_space<vmem>>, vector<16xi32>,
      %swap3A_257 = vector.shape_cast %swap3A_256 : vector<16xi32> to vector<16xi32>
      %swap3A_258 = vector.shape_cast %get3A_254 : vector<16xi32> to vector<16xi32>
      tpu.vector_store %arg15[%swap3A_255], %swap3A_258 {strides = array<i32>} : memref<128xi32, #tpu.memory_space<vmem>>, vector<16xi32>,
      %get3A_259 = arith.constant 48 : index
      %get3A_260 = tpu.vector_load %arg13[%get3A_259] {strides = array<i32>} : memref<128xi32, #tpu.memory_space<vmem>>, vector<16xi32>,
      %get3A_261 = vector.shape_cast %get3A_260 : vector<16xi32> to vector<16xi32>
      %swap3A_262 = arith.constant 48 : index
      %swap3A_263 = tpu.vector_load %arg15[%swap3A_262] {strides = array<i32>} : memref<128xi32, #tpu.memory_space<vmem>>, vector<16xi32>,
      %swap3A_264 = vector.shape_cast %swap3A_263 : vector<16xi32> to vector<16xi32>
      %swap3A_265 = vector.shape_cast %get3A_261 : vector<16xi32> to vector<16xi32>
      tpu.vector_store %arg15[%swap3A_262], %swap3A_265 {strides = array<i32>} : memref<128xi32, #tpu.memory_space<vmem>>, vector<16xi32>,
      %get3A_266 = arith.constant 64 : index
      %get3A_267 = tpu.vector_load %arg13[%get3A_266] {strides = array<i32>} : memref<128xi32, #tpu.memory_space<vmem>>, vector<16xi32>,
      %get3A_268 = vector.shape_cast %get3A_267 : vector<16xi32> to vector<16xi32>
      %swap3A_269 = arith.constant 64 : index
      %swap3A_270 = tpu.vector_load %arg15[%swap3A_269] {strides = array<i32>} : memref<128xi32, #tpu.memory_space<vmem>>, vector<16xi32>,
      %swap3A_271 = vector.shape_cast %swap3A_270 : vector<16xi32> to vector<16xi32>
      %swap3A_272 = vector.shape_cast %get3A_268 : vector<16xi32> to vector<16xi32>
      tpu.vector_store %arg15[%swap3A_269], %swap3A_272 {strides = array<i32>} : memref<128xi32, #tpu.memory_space<vmem>>, vector<16xi32>,
      %get3A_273 = arith.constant 80 : index
      %get3A_274 = tpu.vector_load %arg13[%get3A_273] {strides = array<i32>} : memref<128xi32, #tpu.memory_space<vmem>>, vector<16xi32>,
      %get3A_275 = vector.shape_cast %get3A_274 : vector<16xi32> to vector<16xi32>
      %swap3A_276 = arith.constant 80 : index
      %swap3A_277 = tpu.vector_load %arg15[%swap3A_276] {strides = array<i32>} : memref<128xi32, #tpu.memory_space<vmem>>, vector<16xi32>,
      %swap3A_278 = vector.shape_cast %swap3A_277 : vector<16xi32> to vector<16xi32>
      %swap3A_279 = vector.shape_cast %get3A_275 : vector<16xi32> to vector<16xi32>
      tpu.vector_store %arg15[%swap3A_276], %swap3A_279 {strides = array<i32>} : memref<128xi32, #tpu.memory_space<vmem>>, vector<16xi32>,
      %get3A_280 = arith.constant 96 : index
      %get3A_281 = tpu.vector_load %arg13[%get3A_280] {strides = array<i32>} : memref<128xi32, #tpu.memory_space<vmem>>, vector<16xi32>,
      %get3A_282 = vector.shape_cast %get3A_281 : vector<16xi32> to vector<16xi32>
      %swap3A_283 = arith.constant 96 : index
      %swap3A_284 = tpu.vector_load %arg15[%swap3A_283] {strides = array<i32>} : memref<128xi32, #tpu.memory_space<vmem>>, vector<16xi32>,
      %swap3A_285 = vector.shape_cast %swap3A_284 : vector<16xi32> to vector<16xi32>
      %swap3A_286 = vector.shape_cast %get3A_282 : vector<16xi32> to vector<16xi32>
      tpu.vector_store %arg15[%swap3A_283], %swap3A_286 {strides = array<i32>} : memref<128xi32, #tpu.memory_space<vmem>>, vector<16xi32>,
      %get3A_287 = arith.constant 112 : index
      %get3A_288 = tpu.vector_load %arg13[%get3A_287] {strides = array<i32>} : memref<128xi32, #tpu.memory_space<vmem>>, vector<16xi32>,
      %get3A_289 = vector.shape_cast %get3A_288 : vector<16xi32> to vector<16xi32>
      %swap3A_290 = arith.constant 112 : index
      %swap3A_291 = tpu.vector_load %arg15[%swap3A_290] {strides = array<i32>} : memref<128xi32, #tpu.memory_space<vmem>>, vector<16xi32>,
      %swap3A_292 = vector.shape_cast %swap3A_291 : vector<16xi32> to vector<16xi32>
      %swap3A_293 = vector.shape_cast %get3A_289 : vector<16xi32> to vector<16xi32>
      tpu.vector_store %arg15[%swap3A_290], %swap3A_293 {strides = array<i32>} : memref<128xi32, #tpu.memory_space<vmem>>, vector<16xi32>,
      %add3A_294 = arith.constant 2 : i32
      %add3A_295 = arith.addi %mul3A_229, %add3A_294 : i32
      %add3A_296 = arith.addi %mul3A_65, %add3A_295 : i32
      %mul3A_297 = arith.constant 128 : i32
      %mul3A_298 = arith.muli %add3A_296, %mul3A_297 : i32
      %dma_start3A_299 = arith.constant 1 : i32
      %dma_start3A_300 = tpu.memref_slice %arg2[%dma_start3A_299, %mul3A_298] : memref<2x320000xi32, #tpu.memory_space<hbm>> -> memref<1x128xi32, #tpu.memory_space<hbm>>
      %dma_start3A_301 = tpu.memref_squeeze %dma_start3A_300 : memref<1x128xi32, #tpu.memory_space<hbm>> -> memref<128xi32, #tpu.memory_space<hbm>>
      %dma_start3A_302 = tpu.memref_slice %arg2[%dma_start3A_299, %mul3A_298] : memref<2x320000xi32, #tpu.memory_space<hbm>> -> memref<1x128xi32, #tpu.memory_space<hbm>>
      %dma_start3A_303 = tpu.memref_squeeze %dma_start3A_302 : memref<1x128xi32, #tpu.memory_space<hbm>> -> memref<128xi32, #tpu.memory_space<hbm>>
      tpu.enqueue_dma source(%dma_start3A_303 : memref<128xi32, #tpu.memory_space<hbm>>) target(%arg11 : memref<128xi32, #tpu.memory_space<vmem>>) target_semaphore(%arg23 : memref<!tpu.dma_semaphore, #tpu.memory_space<semaphore_mem>>)
      %dma_start3A_304 = arith.constant 0 : i32
      %dma_start3A_305 = tpu.memref_slice %arg2[%dma_start3A_304, %mul3A_298] : memref<2x320000xi32, #tpu.memory_space<hbm>> -> memref<1x128xi32, #tpu.memory_space<hbm>>
      %dma_start3A_306 = tpu.memref_squeeze %dma_start3A_305 : memref<1x128xi32, #tpu.memory_space<hbm>> -> memref<128xi32, #tpu.memory_space<hbm>>
      %dma_start3A_307 = tpu.memref_slice %arg2[%dma_start3A_304, %mul3A_298] : memref<2x320000xi32, #tpu.memory_space<hbm>> -> memref<1x128xi32, #tpu.memory_space<hbm>>
      %dma_start3A_308 = tpu.memref_squeeze %dma_start3A_307 : memref<1x128xi32, #tpu.memory_space<hbm>> -> memref<128xi32, #tpu.memory_space<hbm>>
      tpu.enqueue_dma source(%dma_start3A_308 : memref<128xi32, #tpu.memory_space<hbm>>) target(%arg13 : memref<128xi32, #tpu.memory_space<vmem>>) target_semaphore(%arg23 : memref<!tpu.dma_semaphore, #tpu.memory_space<semaphore_mem>>)
      %dma_start3A_309 = arith.constant 0 : i32
      %dma_start3A_310 = arith.constant 0 : i32
      %dma_start3A_311 = tpu.memref_slice %arg9[%dma_start3A_309, %dma_start3A_310] : memref<10112x128xf32, #tpu.memory_space<vmem_shared>> -> memref<10112x128xf32, #tpu.memory_space<vmem_shared>>
      tpu.enqueue_indirect_dma source(%arg17 : memref<128x128xf32, #tpu.memory_space<vmem>>) target(%dma_start3A_311 : memref<10112x128xf32, #tpu.memory_space<vmem_shared>>) offsets(%arg15 : memref<128xi32, #tpu.memory_space<vmem>>) semaphore(%arg25 : memref<!tpu.dma_semaphore, #tpu.memory_space<semaphore_mem>>) {add = true}
      %dma_start3A_312 = arith.constant 0 : i32
      %dma_start3A_313 = tpu.memref_slice %arg10[%dma_start3A_312] : memref<10112xf32, #tpu.memory_space<vmem_shared>> -> memref<10112xf32, #tpu.memory_space<vmem_shared>>
      tpu.enqueue_indirect_dma source(%arg19 : memref<128xf32, #tpu.memory_space<vmem>>) target(%dma_start3A_313 : memref<10112xf32, #tpu.memory_space<vmem_shared>>) offsets(%arg15 : memref<128xi32, #tpu.memory_space<vmem>>) semaphore(%arg25 : memref<!tpu.dma_semaphore, #tpu.memory_space<semaphore_mem>>) {add = true}
      %add3A_314 = arith.constant 2 : i32
      %add3A_315 = arith.addi %mul3A_229, %add3A_314 : i32
      %add3A_316 = arith.addi %mul3A_65, %add3A_315 : i32
      %mul3A_317 = arith.constant 128 : i32
      %mul3A_318 = arith.muli %add3A_316, %mul3A_317 : i32
      %dma_wait3A_319 = arith.constant 1 : i32
      %dma_wait3A_320 = tpu.memref_slice %arg2[%dma_wait3A_319, %mul3A_318] : memref<2x320000xi32, #tpu.memory_space<hbm>> -> memref<1x128xi32, #tpu.memory_space<hbm>>
      %dma_wait3A_321 = tpu.memref_squeeze %dma_wait3A_320 : memref<1x128xi32, #tpu.memory_space<hbm>> -> memref<128xi32, #tpu.memory_space<hbm>>
      %dma_wait3A_322 = tpu.memref_slice %arg2[%dma_wait3A_319, %mul3A_318] : memref<2x320000xi32, #tpu.memory_space<hbm>> -> memref<1x128xi32, #tpu.memory_space<hbm>>
      %dma_wait3A_323 = tpu.memref_squeeze %dma_wait3A_322 : memref<1x128xi32, #tpu.memory_space<hbm>> -> memref<128xi32, #tpu.memory_space<hbm>>
      tpu.wait_dma2 semaphore(%arg23 : memref<!tpu.dma_semaphore, #tpu.memory_space<semaphore_mem>>) src(%dma_wait3A_323 : memref<128xi32, #tpu.memory_space<hbm>>) dst(%arg11 : memref<128xi32, #tpu.memory_space<vmem>>)
      %dma_wait3A_324 = arith.constant 0 : i32
      %dma_wait3A_325 = tpu.memref_slice %arg2[%dma_wait3A_324, %mul3A_318] : memref<2x320000xi32, #tpu.memory_space<hbm>> -> memref<1x128xi32, #tpu.memory_space<hbm>>
      %dma_wait3A_326 = tpu.memref_squeeze %dma_wait3A_325 : memref<1x128xi32, #tpu.memory_space<hbm>> -> memref<128xi32, #tpu.memory_space<hbm>>
      %dma_wait3A_327 = tpu.memref_slice %arg2[%dma_wait3A_324, %mul3A_318] : memref<2x320000xi32, #tpu.memory_space<hbm>> -> memref<1x128xi32, #tpu.memory_space<hbm>>
      %dma_wait3A_328 = tpu.memref_squeeze %dma_wait3A_327 : memref<1x128xi32, #tpu.memory_space<hbm>> -> memref<128xi32, #tpu.memory_space<hbm>>
      tpu.wait_dma2 semaphore(%arg23 : memref<!tpu.dma_semaphore, #tpu.memory_space<semaphore_mem>>) src(%dma_wait3A_328 : memref<128xi32, #tpu.memory_space<hbm>>) dst(%arg13 : memref<128xi32, #tpu.memory_space<vmem>>)
      %dma_wait3A_329 = arith.constant 0 : i32
      %dma_wait3A_330 = arith.constant 0 : i32
      %dma_wait3A_331 = tpu.memref_slice %arg9[%dma_wait3A_329, %dma_wait3A_330] : memref<10112x128xf32, #tpu.memory_space<vmem_shared>> -> memref<10112x128xf32, #tpu.memory_space<vmem_shared>>
      tpu.wait_indirect_dma semaphore(%arg25 : memref<!tpu.dma_semaphore, #tpu.memory_space<semaphore_mem>>) src(%arg17 : memref<128x128xf32, #tpu.memory_space<vmem>>) dst(%dma_wait3A_331 : memref<10112x128xf32, #tpu.memory_space<vmem_shared>>)
      %dma_wait3A_332 = arith.constant 0 : i32
      %dma_wait3A_333 = tpu.memref_slice %arg10[%dma_wait3A_332] : memref<10112xf32, #tpu.memory_space<vmem_shared>> -> memref<10112xf32, #tpu.memory_space<vmem_shared>>
      tpu.wait_indirect_dma semaphore(%arg25 : memref<!tpu.dma_semaphore, #tpu.memory_space<semaphore_mem>>) src(%arg19 : memref<128xf32, #tpu.memory_space<vmem>>) dst(%dma_wait3A_333 : memref<10112xf32, #tpu.memory_space<vmem_shared>>)
      %dma_start3A_334 = arith.constant 0 : i32
      %dma_start3A_335 = arith.constant 0 : i32
      %dma_start3A_336 = tpu.memref_slice %arg3[%dma_start3A_334, %dma_start3A_335] : memref<10000x128xf32, #tpu.memory_space<hbm>> -> memref<10000x128xf32, #tpu.memory_space<hbm>>
      tpu.enqueue_indirect_dma source(%dma_start3A_336 : memref<10000x128xf32, #tpu.memory_space<hbm>>) target(%arg17 : memref<128x128xf32, #tpu.memory_space<vmem>>) offsets(%arg11 : memref<128xi32, #tpu.memory_space<vmem>>) semaphore(%arg21 : memref<!tpu.dma_semaphore, #tpu.memory_space<semaphore_mem>>)
      %dma_start3A_337 = arith.constant 0 : i32
      %dma_start3A_338 = tpu.memref_slice %arg4[%dma_start3A_337] : memref<10000xf32, #tpu.memory_space<hbm>> -> memref<10000xf32, #tpu.memory_space<hbm>>
      tpu.enqueue_indirect_dma source(%dma_start3A_338 : memref<10000xf32, #tpu.memory_space<hbm>>) target(%arg19 : memref<128xf32, #tpu.memory_space<vmem>>) offsets(%arg11 : memref<128xi32, #tpu.memory_space<vmem>>) semaphore(%arg21 : memref<!tpu.dma_semaphore, #tpu.memory_space<semaphore_mem>>)
      %dma_wait3A_339 = arith.constant 0 : i32
      %dma_wait3A_340 = arith.constant 0 : i32
      %dma_wait3A_341 = tpu.memref_slice %arg3[%dma_wait3A_339, %dma_wait3A_340] : memref<10000x128xf32, #tpu.memory_space<hbm>> -> memref<10000x128xf32, #tpu.memory_space<hbm>>
      tpu.wait_indirect_dma semaphore(%arg22 : memref<!tpu.dma_semaphore, #tpu.memory_space<semaphore_mem>>) src(%dma_wait3A_341 : memref<10000x128xf32, #tpu.memory_space<hbm>>) dst(%arg18 : memref<128x128xf32, #tpu.memory_space<vmem>>)
      %dma_wait3A_342 = arith.constant 0 : i32
      %dma_wait3A_343 = tpu.memref_slice %arg4[%dma_wait3A_342] : memref<10000xf32, #tpu.memory_space<hbm>> -> memref<10000xf32, #tpu.memory_space<hbm>>
      tpu.wait_indirect_dma semaphore(%arg22 : memref<!tpu.dma_semaphore, #tpu.memory_space<semaphore_mem>>) src(%dma_wait3A_343 : memref<10000xf32, #tpu.memory_space<hbm>>) dst(%arg20 : memref<128xf32, #tpu.memory_space<vmem>>)
      %get3A_344 = arith.constant 0 : index
      %get3A_345 = tpu.vector_load %arg14[%get3A_344] {strides = array<i32>} : memref<128xi32, #tpu.memory_space<vmem>>, vector<16xi32>,
      %get3A_346 = vector.shape_cast %get3A_345 : vector<16xi32> to vector<16xi32>
      %swap3A_347 = arith.constant 0 : index
      %swap3A_348 = tpu.vector_load %arg16[%swap3A_347] {strides = array<i32>} : memref<128xi32, #tpu.memory_space<vmem>>, vector<16xi32>,
      %swap3A_349 = vector.shape_cast %swap3A_348 : vector<16xi32> to vector<16xi32>
      %swap3A_350 = vector.shape_cast %get3A_346 : vector<16xi32> to vector<16xi32>
      tpu.vector_store %arg16[%swap3A_347], %swap3A_350 {strides = array<i32>} : memref<128xi32, #tpu.memory_space<vmem>>, vector<16xi32>,
      %get3A_351 = arith.constant 16 : index
      %get3A_352 = tpu.vector_load %arg14[%get3A_351] {strides = array<i32>} : memref<128xi32, #tpu.memory_space<vmem>>, vector<16xi32>,
      %get3A_353 = vector.shape_cast %get3A_352 : vector<16xi32> to vector<16xi32>
      %swap3A_354 = arith.constant 16 : index
      %swap3A_355 = tpu.vector_load %arg16[%swap3A_354] {strides = array<i32>} : memref<128xi32, #tpu.memory_space<vmem>>, vector<16xi32>,
      %swap3A_356 = vector.shape_cast %swap3A_355 : vector<16xi32> to vector<16xi32>
      %swap3A_357 = vector.shape_cast %get3A_353 : vector<16xi32> to vector<16xi32>
      tpu.vector_store %arg16[%swap3A_354], %swap3A_357 {strides = array<i32>} : memref<128xi32, #tpu.memory_space<vmem>>, vector<16xi32>,
      %get3A_358 = arith.constant 32 : index
      %get3A_359 = tpu.vector_load %arg14[%get3A_358] {strides = array<i32>} : memref<128xi32, #tpu.memory_space<vmem>>, vector<16xi32>,
      %get3A_360 = vector.shape_cast %get3A_359 : vector<16xi32> to vector<16xi32>
      %swap3A_361 = arith.constant 32 : index
      %swap3A_362 = tpu.vector_load %arg16[%swap3A_361] {strides = array<i32>} : memref<128xi32, #tpu.memory_space<vmem>>, vector<16xi32>,
      %swap3A_363 = vector.shape_cast %swap3A_362 : vector<16xi32> to vector<16xi32>
      %swap3A_364 = vector.shape_cast %get3A_360 : vector<16xi32> to vector<16xi32>
      tpu.vector_store %arg16[%swap3A_361], %swap3A_364 {strides = array<i32>} : memref<128xi32, #tpu.memory_space<vmem>>, vector<16xi32>,
      %get3A_365 = arith.constant 48 : index
      %get3A_366 = tpu.vector_load %arg14[%get3A_365] {strides = array<i32>} : memref<128xi32, #tpu.memory_space<vmem>>, vector<16xi32>,
      %get3A_367 = vector.shape_cast %get3A_366 : vector<16xi32> to vector<16xi32>
      %swap3A_368 = arith.constant 48 : index
      %swap3A_369 = tpu.vector_load %arg16[%swap3A_368] {strides = array<i32>} : memref<128xi32, #tpu.memory_space<vmem>>, vector<16xi32>,
      %swap3A_370 = vector.shape_cast %swap3A_369 : vector<16xi32> to vector<16xi32>
      %swap3A_371 = vector.shape_cast %get3A_367 : vector<16xi32> to vector<16xi32>
      tpu.vector_store %arg16[%swap3A_368], %swap3A_371 {strides = array<i32>} : memref<128xi32, #tpu.memory_space<vmem>>, vector<16xi32>,
      %get3A_372 = arith.constant 64 : index
      %get3A_373 = tpu.vector_load %arg14[%get3A_372] {strides = array<i32>} : memref<128xi32, #tpu.memory_space<vmem>>, vector<16xi32>,
      %get3A_374 = vector.shape_cast %get3A_373 : vector<16xi32> to vector<16xi32>
      %swap3A_375 = arith.constant 64 : index
      %swap3A_376 = tpu.vector_load %arg16[%swap3A_375] {strides = array<i32>} : memref<128xi32, #tpu.memory_space<vmem>>, vector<16xi32>,
      %swap3A_377 = vector.shape_cast %swap3A_376 : vector<16xi32> to vector<16xi32>
      %swap3A_378 = vector.shape_cast %get3A_374 : vector<16xi32> to vector<16xi32>
      tpu.vector_store %arg16[%swap3A_375], %swap3A_378 {strides = array<i32>} : memref<128xi32, #tpu.memory_space<vmem>>, vector<16xi32>,
      %get3A_379 = arith.constant 80 : index
      %get3A_380 = tpu.vector_load %arg14[%get3A_379] {strides = array<i32>} : memref<128xi32, #tpu.memory_space<vmem>>, vector<16xi32>,
      %get3A_381 = vector.shape_cast %get3A_380 : vector<16xi32> to vector<16xi32>
      %swap3A_382 = arith.constant 80 : index
      %swap3A_383 = tpu.vector_load %arg16[%swap3A_382] {strides = array<i32>} : memref<128xi32, #tpu.memory_space<vmem>>, vector<16xi32>,
      %swap3A_384 = vector.shape_cast %swap3A_383 : vector<16xi32> to vector<16xi32>
      %swap3A_385 = vector.shape_cast %get3A_381 : vector<16xi32> to vector<16xi32>
      tpu.vector_store %arg16[%swap3A_382], %swap3A_385 {strides = array<i32>} : memref<128xi32, #tpu.memory_space<vmem>>, vector<16xi32>,
      %get3A_386 = arith.constant 96 : index
      %get3A_387 = tpu.vector_load %arg14[%get3A_386] {strides = array<i32>} : memref<128xi32, #tpu.memory_space<vmem>>, vector<16xi32>,
      %get3A_388 = vector.shape_cast %get3A_387 : vector<16xi32> to vector<16xi32>
      %swap3A_389 = arith.constant 96 : index
      %swap3A_390 = tpu.vector_load %arg16[%swap3A_389] {strides = array<i32>} : memref<128xi32, #tpu.memory_space<vmem>>, vector<16xi32>,
      %swap3A_391 = vector.shape_cast %swap3A_390 : vector<16xi32> to vector<16xi32>
      %swap3A_392 = vector.shape_cast %get3A_388 : vector<16xi32> to vector<16xi32>
      tpu.vector_store %arg16[%swap3A_389], %swap3A_392 {strides = array<i32>} : memref<128xi32, #tpu.memory_space<vmem>>, vector<16xi32>,
      %get3A_393 = arith.constant 112 : index
      %get3A_394 = tpu.vector_load %arg14[%get3A_393] {strides = array<i32>} : memref<128xi32, #tpu.memory_space<vmem>>, vector<16xi32>,
      %get3A_395 = vector.shape_cast %get3A_394 : vector<16xi32> to vector<16xi32>
      %swap3A_396 = arith.constant 112 : index
      %swap3A_397 = tpu.vector_load %arg16[%swap3A_396] {strides = array<i32>} : memref<128xi32, #tpu.memory_space<vmem>>, vector<16xi32>,
      %swap3A_398 = vector.shape_cast %swap3A_397 : vector<16xi32> to vector<16xi32>
      %swap3A_399 = vector.shape_cast %get3A_395 : vector<16xi32> to vector<16xi32>
      tpu.vector_store %arg16[%swap3A_396], %swap3A_399 {strides = array<i32>} : memref<128xi32, #tpu.memory_space<vmem>>, vector<16xi32>,
      %add3A_400 = arith.constant 3 : i32
      %add3A_401 = arith.addi %mul3A_229, %add3A_400 : i32
      %add3A_402 = arith.addi %mul3A_65, %add3A_401 : i32
      %mul3A_403 = arith.constant 128 : i32
      %mul3A_404 = arith.muli %add3A_402, %mul3A_403 : i32
      %dma_start3A_405 = arith.constant 1 : i32
      %dma_start3A_406 = tpu.memref_slice %arg2[%dma_start3A_405, %mul3A_404] : memref<2x320000xi32, #tpu.memory_space<hbm>> -> memref<1x128xi32, #tpu.memory_space<hbm>>
      %dma_start3A_407 = tpu.memref_squeeze %dma_start3A_406 : memref<1x128xi32, #tpu.memory_space<hbm>> -> memref<128xi32, #tpu.memory_space<hbm>>
      %dma_start3A_408 = tpu.memref_slice %arg2[%dma_start3A_405, %mul3A_404] : memref<2x320000xi32, #tpu.memory_space<hbm>> -> memref<1x128xi32, #tpu.memory_space<hbm>>
      %dma_start3A_409 = tpu.memref_squeeze %dma_start3A_408 : memref<1x128xi32, #tpu.memory_space<hbm>> -> memref<128xi32, #tpu.memory_space<hbm>>
      tpu.enqueue_dma source(%dma_start3A_409 : memref<128xi32, #tpu.memory_space<hbm>>) target(%arg12 : memref<128xi32, #tpu.memory_space<vmem>>) target_semaphore(%arg24 : memref<!tpu.dma_semaphore, #tpu.memory_space<semaphore_mem>>)
      %dma_start3A_410 = arith.constant 0 : i32
      %dma_start3A_411 = tpu.memref_slice %arg2[%dma_start3A_410, %mul3A_404] : memref<2x320000xi32, #tpu.memory_space<hbm>> -> memref<1x128xi32, #tpu.memory_space<hbm>>
      %dma_start3A_412 = tpu.memref_squeeze %dma_start3A_411 : memref<1x128xi32, #tpu.memory_space<hbm>> -> memref<128xi32, #tpu.memory_space<hbm>>
      %dma_start3A_413 = tpu.memref_slice %arg2[%dma_start3A_410, %mul3A_404] : memref<2x320000xi32, #tpu.memory_space<hbm>> -> memref<1x128xi32, #tpu.memory_space<hbm>>
      %dma_start3A_414 = tpu.memref_squeeze %dma_start3A_413 : memref<1x128xi32, #tpu.memory_space<hbm>> -> memref<128xi32, #tpu.memory_space<hbm>>
      tpu.enqueue_dma source(%dma_start3A_414 : memref<128xi32, #tpu.memory_space<hbm>>) target(%arg14 : memref<128xi32, #tpu.memory_space<vmem>>) target_semaphore(%arg24 : memref<!tpu.dma_semaphore, #tpu.memory_space<semaphore_mem>>)
      %dma_start3A_415 = arith.constant 0 : i32
      %dma_start3A_416 = arith.constant 0 : i32
      %dma_start3A_417 = tpu.memref_slice %arg9[%dma_start3A_415, %dma_start3A_416] : memref<10112x128xf32, #tpu.memory_space<vmem_shared>> -> memref<10112x128xf32, #tpu.memory_space<vmem_shared>>
      tpu.enqueue_indirect_dma source(%arg18 : memref<128x128xf32, #tpu.memory_space<vmem>>) target(%dma_start3A_417 : memref<10112x128xf32, #tpu.memory_space<vmem_shared>>) offsets(%arg16 : memref<128xi32, #tpu.memory_space<vmem>>) semaphore(%arg26 : memref<!tpu.dma_semaphore, #tpu.memory_space<semaphore_mem>>) {add = true}
      %dma_start3A_418 = arith.constant 0 : i32
      %dma_start3A_419 = tpu.memref_slice %arg10[%dma_start3A_418] : memref<10112xf32, #tpu.memory_space<vmem_shared>> -> memref<10112xf32, #tpu.memory_space<vmem_shared>>
      tpu.enqueue_indirect_dma source(%arg20 : memref<128xf32, #tpu.memory_space<vmem>>) target(%dma_start3A_419 : memref<10112xf32, #tpu.memory_space<vmem_shared>>) offsets(%arg16 : memref<128xi32, #tpu.memory_space<vmem>>) semaphore(%arg26 : memref<!tpu.dma_semaphore, #tpu.memory_space<semaphore_mem>>) {add = true}
      %add3A_420 = arith.constant 3 : i32
      %add3A_421 = arith.addi %mul3A_229, %add3A_420 : i32
      %add3A_422 = arith.addi %mul3A_65, %add3A_421 : i32
      %mul3A_423 = arith.constant 128 : i32
      %mul3A_424 = arith.muli %add3A_422, %mul3A_423 : i32
      %dma_wait3A_425 = arith.constant 1 : i32
      %dma_wait3A_426 = tpu.memref_slice %arg2[%dma_wait3A_425, %mul3A_424] : memref<2x320000xi32, #tpu.memory_space<hbm>> -> memref<1x128xi32, #tpu.memory_space<hbm>>
      %dma_wait3A_427 = tpu.memref_squeeze %dma_wait3A_426 : memref<1x128xi32, #tpu.memory_space<hbm>> -> memref<128xi32, #tpu.memory_space<hbm>>
      %dma_wait3A_428 = tpu.memref_slice %arg2[%dma_wait3A_425, %mul3A_424] : memref<2x320000xi32, #tpu.memory_space<hbm>> -> memref<1x128xi32, #tpu.memory_space<hbm>>
      %dma_wait3A_429 = tpu.memref_squeeze %dma_wait3A_428 : memref<1x128xi32, #tpu.memory_space<hbm>> -> memref<128xi32, #tpu.memory_space<hbm>>
      tpu.wait_dma2 semaphore(%arg24 : memref<!tpu.dma_semaphore, #tpu.memory_space<semaphore_mem>>) src(%dma_wait3A_429 : memref<128xi32, #tpu.memory_space<hbm>>) dst(%arg12 : memref<128xi32, #tpu.memory_space<vmem>>)
      %dma_wait3A_430 = arith.constant 0 : i32
      %dma_wait3A_431 = tpu.memref_slice %arg2[%dma_wait3A_430, %mul3A_424] : memref<2x320000xi32, #tpu.memory_space<hbm>> -> memref<1x128xi32, #tpu.memory_space<hbm>>
      %dma_wait3A_432 = tpu.memref_squeeze %dma_wait3A_431 : memref<1x128xi32, #tpu.memory_space<hbm>> -> memref<128xi32, #tpu.memory_space<hbm>>
      %dma_wait3A_433 = tpu.memref_slice %arg2[%dma_wait3A_430, %mul3A_424] : memref<2x320000xi32, #tpu.memory_space<hbm>> -> memref<1x128xi32, #tpu.memory_space<hbm>>
      %dma_wait3A_434 = tpu.memref_squeeze %dma_wait3A_433 : memref<1x128xi32, #tpu.memory_space<hbm>> -> memref<128xi32, #tpu.memory_space<hbm>>
      tpu.wait_dma2 semaphore(%arg24 : memref<!tpu.dma_semaphore, #tpu.memory_space<semaphore_mem>>) src(%dma_wait3A_434 : memref<128xi32, #tpu.memory_space<hbm>>) dst(%arg14 : memref<128xi32, #tpu.memory_space<vmem>>)
      %dma_wait3A_435 = arith.constant 0 : i32
      %dma_wait3A_436 = arith.constant 0 : i32
      %dma_wait3A_437 = tpu.memref_slice %arg9[%dma_wait3A_435, %dma_wait3A_436] : memref<10112x128xf32, #tpu.memory_space<vmem_shared>> -> memref<10112x128xf32, #tpu.memory_space<vmem_shared>>
      tpu.wait_indirect_dma semaphore(%arg26 : memref<!tpu.dma_semaphore, #tpu.memory_space<semaphore_mem>>) src(%arg18 : memref<128x128xf32, #tpu.memory_space<vmem>>) dst(%dma_wait3A_437 : memref<10112x128xf32, #tpu.memory_space<vmem_shared>>)
      %dma_wait3A_438 = arith.constant 0 : i32
      %dma_wait3A_439 = tpu.memref_slice %arg10[%dma_wait3A_438] : memref<10112xf32, #tpu.memory_space<vmem_shared>> -> memref<10112xf32, #tpu.memory_space<vmem_shared>>
      tpu.wait_indirect_dma semaphore(%arg26 : memref<!tpu.dma_semaphore, #tpu.memory_space<semaphore_mem>>) src(%arg20 : memref<128xf32, #tpu.memory_space<vmem>>) dst(%dma_wait3A_439 : memref<10112xf32, #tpu.memory_space<vmem_shared>>)
    }
    %while3A_135 = arith.constant 1 : i32
    scf.for %while3A_227 = %while3A_133 to %while3A_129 step %while3A_135  : i32 {
      %mul3A_228 = arith.constant 2 : i32
      %mul3A_229 = arith.muli %mul3A_228, %while3A_227 : i32
      %dma_start3A_230 = arith.constant 0 : i32
      %dma_start3A_231 = arith.constant 0 : i32
      %dma_start3A_232 = tpu.memref_slice %arg3[%dma_start3A_230, %dma_start3A_231] : memref<10000x128xf32, #tpu.memory_space<hbm>> -> memref<10000x128xf32, #tpu.memory_space<hbm>>
      tpu.enqueue_indirect_dma source(%dma_start3A_232 : memref<10000x128xf32, #tpu.memory_space<hbm>>) target(%arg18 : memref<128x128xf32, #tpu.memory_space<vmem>>) offsets(%arg12 : memref<128xi32, #tpu.memory_space<vmem>>) semaphore(%arg22 : memref<!tpu.dma_semaphore, #tpu.memory_space<semaphore_mem>>)
      %dma_start3A_233 = arith.constant 0 : i32
      %dma_start3A_234 = tpu.memref_slice %arg4[%dma_start3A_233] : memref<10000xf32, #tpu.memory_space<hbm>> -> memref<10000xf32, #tpu.memory_space<hbm>>
      tpu.enqueue_indirect_dma source(%dma_start3A_234 : memref<10000xf32, #tpu.memory_space<hbm>>) target(%arg20 : memref<128xf32, #tpu.memory_space<vmem>>) offsets(%arg12 : memref<128xi32, #tpu.memory_space<vmem>>) semaphore(%arg22 : memref<!tpu.dma_semaphore, #tpu.memory_space<semaphore_mem>>)
      %dma_wait3A_235 = arith.constant 0 : i32
      %dma_wait3A_236 = arith.constant 0 : i32
      %dma_wait3A_237 = tpu.memref_slice %arg3[%dma_wait3A_235, %dma_wait3A_236] : memref<10000x128xf32, #tpu.memory_space<hbm>> -> memref<10000x128xf32, #tpu.memory_space<hbm>>
      tpu.wait_indirect_dma semaphore(%arg21 : memref<!tpu.dma_semaphore, #tpu.memory_space<semaphore_mem>>) src(%dma_wait3A_237 : memref<10000x128xf32, #tpu.memory_space<hbm>>) dst(%arg17 : memref<128x128xf32, #tpu.memory_space<vmem>>)
      %dma_wait3A_238 = arith.constant 0 : i32
      %dma_wait3A_239 = tpu.memref_slice %arg4[%dma_wait3A_238] : memref<10000xf32, #tpu.memory_space<hbm>> -> memref<10000xf32, #tpu.memory_space<hbm>>
      tpu.wait_indirect_dma semaphore(%arg21 : memref<!tpu.dma_semaphore, #tpu.memory_space<semaphore_mem>>) src(%dma_wait3A_239 : memref<10000xf32, #tpu.memory_space<hbm>>) dst(%arg19 : memref<128xf32, #tpu.memory_space<vmem>>)
      %get3A = arith.constant 0 : index
      %get3A_240 = tpu.vector_load %arg13[%get3A] {strides = array<i32>} : memref<128xi32, #tpu.memory_space<vmem>>, vector<16xi32>,
      %get3A_241 = vector.shape_cast %get3A_240 : vector<16xi32> to vector<16xi32>
      %swap3A = arith.constant 0 : index
      %swap3A_242 = tpu.vector_load %arg15[%swap3A] {strides = array<i32>} : memref<128xi32, #tpu.memory_space<vmem>>, vector<16xi32>,
      %swap3A_243 = vector.shape_cast %swap3A_242 : vector<16xi32> to vector<16xi32>
      %swap3A_244 = vector.shape_cast %get3A_241 : vector<16xi32> to vector<16xi32>
      tpu.vector_store %arg15[%swap3A], %swap3A_244 {strides = array<i32>} : memref<128xi32, #tpu.memory_space<vmem>>, vector<16xi32>,
      %get3A_245 = arith.constant 16 : index
      %get3A_246 = tpu.vector_load %arg13[%get3A_245] {strides = array<i32>} : memref<128xi32, #tpu.memory_space<vmem>>, vector<16xi32>,
      %get3A_247 = vector.shape_cast %get3A_246 : vector<16xi32> to vector<16xi32>
      %swap3A_248 = arith.constant 16 : index
      %swap3A_249 = tpu.vector_load %arg15[%swap3A_248] {strides = array<i32>} : memref<128xi32, #tpu.memory_space<vmem>>, vector<16xi32>,
      %swap3A_250 = vector.shape_cast %swap3A_249 : vector<16xi32> to vector<16xi32>
      %swap3A_251 = vector.shape_cast %get3A_247 : vector<16xi32> to vector<16xi32>
      tpu.vector_store %arg15[%swap3A_248], %swap3A_251 {strides = array<i32>} : memref<128xi32, #tpu.memory_space<vmem>>, vector<16xi32>,
      %get3A_252 = arith.constant 32 : index
      %get3A_253 = tpu.vector_load %arg13[%get3A_252] {strides = array<i32>} : memref<128xi32, #tpu.memory_space<vmem>>, vector<16xi32>,
      %get3A_254 = vector.shape_cast %get3A_253 : vector<16xi32> to vector<16xi32>
      %swap3A_255 = arith.constant 32 : index
      %swap3A_256 = tpu.vector_load %arg15[%swap3A_255] {strides = array<i32>} : memref<128xi32, #tpu.memory_space<vmem>>, vector<16xi32>,
      %swap3A_257 = vector.shape_cast %swap3A_256 : vector<16xi32> to vector<16xi32>
      %swap3A_258 = vector.shape_cast %get3A_254 : vector<16xi32> to vector<16xi32>
      tpu.vector_store %arg15[%swap3A_255], %swap3A_258 {strides = array<i32>} : memref<128xi32, #tpu.memory_space<vmem>>, vector<16xi32>,
      %get3A_259 = arith.constant 48 : index
      %get3A_260 = tpu.vector_load %arg13[%get3A_259] {strides = array<i32>} : memref<128xi32, #tpu.memory_space<vmem>>, vector<16xi32>,
      %get3A_261 = vector.shape_cast %get3A_260 : vector<16xi32> to vector<16xi32>
      %swap3A_262 = arith.constant 48 : index
      %swap3A_263 = tpu.vector_load %arg15[%swap3A_262] {strides = array<i32>} : memref<128xi32, #tpu.memory_space<vmem>>, vector<16xi32>,
      %swap3A_264 = vector.shape_cast %swap3A_263 : vector<16xi32> to vector<16xi32>
      %swap3A_265 = vector.shape_cast %get3A_261 : vector<16xi32> to vector<16xi32>
      tpu.vector_store %arg15[%swap3A_262], %swap3A_265 {strides = array<i32>} : memref<128xi32, #tpu.memory_space<vmem>>, vector<16xi32>,
      %get3A_266 = arith.constant 64 : index
      %get3A_267 = tpu.vector_load %arg13[%get3A_266] {strides = array<i32>} : memref<128xi32, #tpu.memory_space<vmem>>, vector<16xi32>,
      %get3A_268 = vector.shape_cast %get3A_267 : vector<16xi32> to vector<16xi32>
      %swap3A_269 = arith.constant 64 : index
      %swap3A_270 = tpu.vector_load %arg15[%swap3A_269] {strides = array<i32>} : memref<128xi32, #tpu.memory_space<vmem>>, vector<16xi32>,
      %swap3A_271 = vector.shape_cast %swap3A_270 : vector<16xi32> to vector<16xi32>
      %swap3A_272 = vector.shape_cast %get3A_268 : vector<16xi32> to vector<16xi32>
      tpu.vector_store %arg15[%swap3A_269], %swap3A_272 {strides = array<i32>} : memref<128xi32, #tpu.memory_space<vmem>>, vector<16xi32>,
      %get3A_273 = arith.constant 80 : index
      %get3A_274 = tpu.vector_load %arg13[%get3A_273] {strides = array<i32>} : memref<128xi32, #tpu.memory_space<vmem>>, vector<16xi32>,
      %get3A_275 = vector.shape_cast %get3A_274 : vector<16xi32> to vector<16xi32>
      %swap3A_276 = arith.constant 80 : index
      %swap3A_277 = tpu.vector_load %arg15[%swap3A_276] {strides = array<i32>} : memref<128xi32, #tpu.memory_space<vmem>>, vector<16xi32>,
      %swap3A_278 = vector.shape_cast %swap3A_277 : vector<16xi32> to vector<16xi32>
      %swap3A_279 = vector.shape_cast %get3A_275 : vector<16xi32> to vector<16xi32>
      tpu.vector_store %arg15[%swap3A_276], %swap3A_279 {strides = array<i32>} : memref<128xi32, #tpu.memory_space<vmem>>, vector<16xi32>,
      %get3A_280 = arith.constant 96 : index
      %get3A_281 = tpu.vector_load %arg13[%get3A_280] {strides = array<i32>} : memref<128xi32, #tpu.memory_space<vmem>>, vector<16xi32>,
      %get3A_282 = vector.shape_cast %get3A_281 : vector<16xi32> to vector<16xi32>
      %swap3A_283 = arith.constant 96 : index
      %swap3A_284 = tpu.vector_load %arg15[%swap3A_283] {strides = array<i32>} : memref<128xi32, #tpu.memory_space<vmem>>, vector<16xi32>,
      %swap3A_285 = vector.shape_cast %swap3A_284 : vector<16xi32> to vector<16xi32>
      %swap3A_286 = vector.shape_cast %get3A_282 : vector<16xi32> to vector<16xi32>
      tpu.vector_store %arg15[%swap3A_283], %swap3A_286 {strides = array<i32>} : memref<128xi32, #tpu.memory_space<vmem>>, vector<16xi32>,
      %get3A_287 = arith.constant 112 : index
      %get3A_288 = tpu.vector_load %arg13[%get3A_287] {strides = array<i32>} : memref<128xi32, #tpu.memory_space<vmem>>, vector<16xi32>,
      %get3A_289 = vector.shape_cast %get3A_288 : vector<16xi32> to vector<16xi32>
      %swap3A_290 = arith.constant 112 : index
      %swap3A_291 = tpu.vector_load %arg15[%swap3A_290] {strides = array<i32>} : memref<128xi32, #tpu.memory_space<vmem>>, vector<16xi32>,
      %swap3A_292 = vector.shape_cast %swap3A_291 : vector<16xi32> to vector<16xi32>
      %swap3A_293 = vector.shape_cast %get3A_289 : vector<16xi32> to vector<16xi32>
      tpu.vector_store %arg15[%swap3A_290], %swap3A_293 {strides = array<i32>} : memref<128xi32, #tpu.memory_space<vmem>>, vector<16xi32>,
      %add3A_294 = arith.constant 2 : i32
      %add3A_295 = arith.addi %mul3A_229, %add3A_294 : i32
      %add3A_296 = arith.addi %mul3A_65, %add3A_295 : i32
      %mul3A_297 = arith.constant 128 : i32
      %mul3A_298 = arith.muli %add3A_296, %mul3A_297 : i32
      %dma_start3A_299 = arith.constant 1 : i32
      %dma_start3A_300 = tpu.memref_slice %arg2[%dma_start3A_299, %mul3A_298] : memref<2x320000xi32, #tpu.memory_space<hbm>> -> memref<1x128xi32, #tpu.memory_space<hbm>>
      %dma_start3A_301 = tpu.memref_squeeze %dma_start3A_300 : memref<1x128xi32, #tpu.memory_space<hbm>> -> memref<128xi32, #tpu.memory_space<hbm>>
      %dma_start3A_302 = tpu.memref_slice %arg2[%dma_start3A_299, %mul3A_298] : memref<2x320000xi32, #tpu.memory_space<hbm>> -> memref<1x128xi32, #tpu.memory_space<hbm>>
      %dma_start3A_303 = tpu.memref_squeeze %dma_start3A_302 : memref<1x128xi32, #tpu.memory_space<hbm>> -> memref<128xi32, #tpu.memory_space<hbm>>
      tpu.enqueue_dma source(%dma_start3A_303 : memref<128xi32, #tpu.memory_space<hbm>>) target(%arg11 : memref<128xi32, #tpu.memory_space<vmem>>) target_semaphore(%arg23 : memref<!tpu.dma_semaphore, #tpu.memory_space<semaphore_mem>>)
      %dma_start3A_304 = arith.constant 0 : i32
      %dma_start3A_305 = tpu.memref_slice %arg2[%dma_start3A_304, %mul3A_298] : memref<2x320000xi32, #tpu.memory_space<hbm>> -> memref<1x128xi32, #tpu.memory_space<hbm>>
      %dma_start3A_306 = tpu.memref_squeeze %dma_start3A_305 : memref<1x128xi32, #tpu.memory_space<hbm>> -> memref<128xi32, #tpu.memory_space<hbm>>
      %dma_start3A_307 = tpu.memref_slice %arg2[%dma_start3A_304, %mul3A_298] : memref<2x320000xi32, #tpu.memory_space<hbm>> -> memref<1x128xi32, #tpu.memory_space<hbm>>
      %dma_start3A_308 = tpu.memref_squeeze %dma_start3A_307 : memref<1x128xi32, #tpu.memory_space<hbm>> -> memref<128xi32, #tpu.memory_space<hbm>>
      tpu.enqueue_dma source(%dma_start3A_308 : memref<128xi32, #tpu.memory_space<hbm>>) target(%arg13 : memref<128xi32, #tpu.memory_space<vmem>>) target_semaphore(%arg23 : memref<!tpu.dma_semaphore, #tpu.memory_space<semaphore_mem>>)
      %dma_start3A_309 = arith.constant 0 : i32
      %dma_start3A_310 = arith.constant 0 : i32
      %dma_start3A_311 = tpu.memref_slice %arg9[%dma_start3A_309, %dma_start3A_310] : memref<10112x128xf32, #tpu.memory_space<vmem_shared>> -> memref<10112x128xf32, #tpu.memory_space<vmem_shared>>
      tpu.enqueue_indirect_dma source(%arg17 : memref<128x128xf32, #tpu.memory_space<vmem>>) target(%dma_start3A_311 : memref<10112x128xf32, #tpu.memory_space<vmem_shared>>) offsets(%arg15 : memref<128xi32, #tpu.memory_space<vmem>>) semaphore(%arg25 : memref<!tpu.dma_semaphore, #tpu.memory_space<semaphore_mem>>) {add = true}
      %dma_start3A_312 = arith.constant 0 : i32
      %dma_start3A_313 = tpu.memref_slice %arg10[%dma_start3A_312] : memref<10112xf32, #tpu.memory_space<vmem_shared>> -> memref<10112xf32, #tpu.memory_space<vmem_shared>>
      tpu.enqueue_indirect_dma source(%arg19 : memref<128xf32, #tpu.memory_space<vmem>>) target(%dma_start3A_313 : memref<10112xf32, #tpu.memory_space<vmem_shared>>) offsets(%arg15 : memref<128xi32, #tpu.memory_space<vmem>>) semaphore(%arg25 : memref<!tpu.dma_semaphore, #tpu.memory_space<semaphore_mem>>) {add = true}
      %add3A_314 = arith.constant 2 : i32
      %add3A_315 = arith.addi %mul3A_229, %add3A_314 : i32
      %add3A_316 = arith.addi %mul3A_65, %add3A_315 : i32
      %mul3A_317 = arith.constant 128 : i32
      %mul3A_318 = arith.muli %add3A_316, %mul3A_317 : i32
      %dma_wait3A_319 = arith.constant 1 : i32
      %dma_wait3A_320 = tpu.memref_slice %arg2[%dma_wait3A_319, %mul3A_318] : memref<2x320000xi32, #tpu.memory_space<hbm>> -> memref<1x128xi32, #tpu.memory_space<hbm>>
      %dma_wait3A_321 = tpu.memref_squeeze %dma_wait3A_320 : memref<1x128xi32, #tpu.memory_space<hbm>> -> memref<128xi32, #tpu.memory_space<hbm>>
      %dma_wait3A_322 = tpu.memref_slice %arg2[%dma_wait3A_319, %mul3A_318] : memref<2x320000xi32, #tpu.memory_space<hbm>> -> memref<1x128xi32, #tpu.memory_space<hbm>>
      %dma_wait3A_323 = tpu.memref_squeeze %dma_wait3A_322 : memref<1x128xi32, #tpu.memory_space<hbm>> -> memref<128xi32, #tpu.memory_space<hbm>>
      tpu.wait_dma2 semaphore(%arg23 : memref<!tpu.dma_semaphore, #tpu.memory_space<semaphore_mem>>) src(%dma_wait3A_323 : memref<128xi32, #tpu.memory_space<hbm>>) dst(%arg11 : memref<128xi32, #tpu.memory_space<vmem>>)
      %dma_wait3A_324 = arith.constant 0 : i32
      %dma_wait3A_325 = tpu.memref_slice %arg2[%dma_wait3A_324, %mul3A_318] : memref<2x320000xi32, #tpu.memory_space<hbm>> -> memref<1x128xi32, #tpu.memory_space<hbm>>
      %dma_wait3A_326 = tpu.memref_squeeze %dma_wait3A_325 : memref<1x128xi32, #tpu.memory_space<hbm>> -> memref<128xi32, #tpu.memory_space<hbm>>
      %dma_wait3A_327 = tpu.memref_slice %arg2[%dma_wait3A_324, %mul3A_318] : memref<2x320000xi32, #tpu.memory_space<hbm>> -> memref<1x128xi32, #tpu.memory_space<hbm>>
      %dma_wait3A_328 = tpu.memref_squeeze %dma_wait3A_327 : memref<1x128xi32, #tpu.memory_space<hbm>> -> memref<128xi32, #tpu.memory_space<hbm>>
      tpu.wait_dma2 semaphore(%arg23 : memref<!tpu.dma_semaphore, #tpu.memory_space<semaphore_mem>>) src(%dma_wait3A_328 : memref<128xi32, #tpu.memory_space<hbm>>) dst(%arg13 : memref<128xi32, #tpu.memory_space<vmem>>)
      %dma_wait3A_329 = arith.constant 0 : i32
      %dma_wait3A_330 = arith.constant 0 : i32
      %dma_wait3A_331 = tpu.memref_slice %arg9[%dma_wait3A_329, %dma_wait3A_330] : memref<10112x128xf32, #tpu.memory_space<vmem_shared>> -> memref<10112x128xf32, #tpu.memory_space<vmem_shared>>
      tpu.wait_indirect_dma semaphore(%arg25 : memref<!tpu.dma_semaphore, #tpu.memory_space<semaphore_mem>>) src(%arg17 : memref<128x128xf32, #tpu.memory_space<vmem>>) dst(%dma_wait3A_331 : memref<10112x128xf32, #tpu.memory_space<vmem_shared>>)
      %dma_wait3A_332 = arith.constant 0 : i32
      %dma_wait3A_333 = tpu.memref_slice %arg10[%dma_wait3A_332] : memref<10112xf32, #tpu.memory_space<vmem_shared>> -> memref<10112xf32, #tpu.memory_space<vmem_shared>>
      tpu.wait_indirect_dma semaphore(%arg25 : memref<!tpu.dma_semaphore, #tpu.memory_space<semaphore_mem>>) src(%arg19 : memref<128xf32, #tpu.memory_space<vmem>>) dst(%dma_wait3A_333 : memref<10112xf32, #tpu.memory_space<vmem_shared>>)
      %dma_start3A_334 = arith.constant 0 : i32
      %dma_start3A_335 = arith.constant 0 : i32
      %dma_start3A_336 = tpu.memref_slice %arg3[%dma_start3A_334, %dma_start3A_335] : memref<10000x128xf32, #tpu.memory_space<hbm>> -> memref<10000x128xf32, #tpu.memory_space<hbm>>
      tpu.enqueue_indirect_dma source(%dma_start3A_336 : memref<10000x128xf32, #tpu.memory_space<hbm>>) target(%arg17 : memref<128x128xf32, #tpu.memory_space<vmem>>) offsets(%arg11 : memref<128xi32, #tpu.memory_space<vmem>>) semaphore(%arg21 : memref<!tpu.dma_semaphore, #tpu.memory_space<semaphore_mem>>)
      %dma_start3A_337 = arith.constant 0 : i32
      %dma_start3A_338 = tpu.memref_slice %arg4[%dma_start3A_337] : memref<10000xf32, #tpu.memory_space<hbm>> -> memref<10000xf32, #tpu.memory_space<hbm>>
      tpu.enqueue_indirect_dma source(%dma_start3A_338 : memref<10000xf32, #tpu.memory_space<hbm>>) target(%arg19 : memref<128xf32, #tpu.memory_space<vmem>>) offsets(%arg11 : memref<128xi32, #tpu.memory_space<vmem>>) semaphore(%arg21 : memref<!tpu.dma_semaphore, #tpu.memory_space<semaphore_mem>>)
      %dma_wait3A_339 = arith.constant 0 : i32
      %dma_wait3A_340 = arith.constant 0 : i32
      %dma_wait3A_341 = tpu.memref_slice %arg3[%dma_wait3A_339, %dma_wait3A_340] : memref<10000x128xf32, #tpu.memory_space<hbm>> -> memref<10000x128xf32, #tpu.memory_space<hbm>>
      tpu.wait_indirect_dma semaphore(%arg22 : memref<!tpu.dma_semaphore, #tpu.memory_space<semaphore_mem>>) src(%dma_wait3A_341 : memref<10000x128xf32, #tpu.memory_space<hbm>>) dst(%arg18 : memref<128x128xf32, #tpu.memory_space<vmem>>)
      %dma_wait3A_342 = arith.constant 0 : i32
      %dma_wait3A_343 = tpu.memref_slice %arg4[%dma_wait3A_342] : memref<10000xf32, #tpu.memory_space<hbm>> -> memref<10000xf32, #tpu.memory_space<hbm>>
      tpu.wait_indirect_dma semaphore(%arg22 : memref<!tpu.dma_semaphore, #tpu.memory_space<semaphore_mem>>) src(%dma_wait3A_343 : memref<10000xf32, #tpu.memory_space<hbm>>) dst(%arg20 : memref<128xf32, #tpu.memory_space<vmem>>)
      %get3A_344 = arith.constant 0 : index
      %get3A_345 = tpu.vector_load %arg14[%get3A_344] {strides = array<i32>} : memref<128xi32, #tpu.memory_space<vmem>>, vector<16xi32>,
      %get3A_346 = vector.shape_cast %get3A_345 : vector<16xi32> to vector<16xi32>
      %swap3A_347 = arith.constant 0 : index
      %swap3A_348 = tpu.vector_load %arg16[%swap3A_347] {strides = array<i32>} : memref<128xi32, #tpu.memory_space<vmem>>, vector<16xi32>,
      %swap3A_349 = vector.shape_cast %swap3A_348 : vector<16xi32> to vector<16xi32>
      %swap3A_350 = vector.shape_cast %get3A_346 : vector<16xi32> to vector<16xi32>
      tpu.vector_store %arg16[%swap3A_347], %swap3A_350 {strides = array<i32>} : memref<128xi32, #tpu.memory_space<vmem>>, vector<16xi32>,
      %get3A_351 = arith.constant 16 : index
      %get3A_352 = tpu.vector_load %arg14[%get3A_351] {strides = array<i32>} : memref<128xi32, #tpu.memory_space<vmem>>, vector<16xi32>,
      %get3A_353 = vector.shape_cast %get3A_352 : vector<16xi32> to vector<16xi32>
      %swap3A_354 = arith.constant 16 : index
      %swap3A_355 = tpu.vector_load %arg16[%swap3A_354] {strides = array<i32>} : memref<128xi32, #tpu.memory_space<vmem>>, vector<16xi32>,
      %swap3A_356 = vector.shape_cast %swap3A_355 : vector<16xi32> to vector<16xi32>
      %swap3A_357 = vector.shape_cast %get3A_353 : vector<16xi32> to vector<16xi32>
      tpu.vector_store %arg16[%swap3A_354], %swap3A_357 {strides = array<i32>} : memref<128xi32, #tpu.memory_space<vmem>>, vector<16xi32>,
      %get3A_358 = arith.constant 32 : index
      %get3A_359 = tpu.vector_load %arg14[%get3A_358] {strides = array<i32>} : memref<128xi32, #tpu.memory_space<vmem>>, vector<16xi32>,
      %get3A_360 = vector.shape_cast %get3A_359 : vector<16xi32> to vector<16xi32>
      %swap3A_361 = arith.constant 32 : index
      %swap3A_362 = tpu.vector_load %arg16[%swap3A_361] {strides = array<i32>} : memref<128xi32, #tpu.memory_space<vmem>>, vector<16xi32>,
      %swap3A_363 = vector.shape_cast %swap3A_362 : vector<16xi32> to vector<16xi32>
      %swap3A_364 = vector.shape_cast %get3A_360 : vector<16xi32> to vector<16xi32>
      tpu.vector_store %arg16[%swap3A_361], %swap3A_364 {strides = array<i32>} : memref<128xi32, #tpu.memory_space<vmem>>, vector<16xi32>,
      %get3A_365 = arith.constant 48 : index
      %get3A_366 = tpu.vector_load %arg14[%get3A_365] {strides = array<i32>} : memref<128xi32, #tpu.memory_space<vmem>>, vector<16xi32>,
      %get3A_367 = vector.shape_cast %get3A_366 : vector<16xi32> to vector<16xi32>
      %swap3A_368 = arith.constant 48 : index
      %swap3A_369 = tpu.vector_load %arg16[%swap3A_368] {strides = array<i32>} : memref<128xi32, #tpu.memory_space<vmem>>, vector<16xi32>,
      %swap3A_370 = vector.shape_cast %swap3A_369 : vector<16xi32> to vector<16xi32>
      %swap3A_371 = vector.shape_cast %get3A_367 : vector<16xi32> to vector<16xi32>
      tpu.vector_store %arg16[%swap3A_368], %swap3A_371 {strides = array<i32>} : memref<128xi32, #tpu.memory_space<vmem>>, vector<16xi32>,
      %get3A_372 = arith.constant 64 : index
      %get3A_373 = tpu.vector_load %arg14[%get3A_372] {strides = array<i32>} : memref<128xi32, #tpu.memory_space<vmem>>, vector<16xi32>,
      %get3A_374 = vector.shape_cast %get3A_373 : vector<16xi32> to vector<16xi32>
      %swap3A_375 = arith.constant 64 : index
      %swap3A_376 = tpu.vector_load %arg16[%swap3A_375] {strides = array<i32>} : memref<128xi32, #tpu.memory_space<vmem>>, vector<16xi32>,
      %swap3A_377 = vector.shape_cast %swap3A_376 : vector<16xi32> to vector<16xi32>
      %swap3A_378 = vector.shape_cast %get3A_374 : vector<16xi32> to vector<16xi32>
      tpu.vector_store %arg16[%swap3A_375], %swap3A_378 {strides = array<i32>} : memref<128xi32, #tpu.memory_space<vmem>>, vector<16xi32>,
      %get3A_379 = arith.constant 80 : index
      %get3A_380 = tpu.vector_load %arg14[%get3A_379] {strides = array<i32>} : memref<128xi32, #tpu.memory_space<vmem>>, vector<16xi32>,
      %get3A_381 = vector.shape_cast %get3A_380 : vector<16xi32> to vector<16xi32>
      %swap3A_382 = arith.constant 80 : index
      %swap3A_383 = tpu.vector_load %arg16[%swap3A_382] {strides = array<i32>} : memref<128xi32, #tpu.memory_space<vmem>>, vector<16xi32>,
      %swap3A_384 = vector.shape_cast %swap3A_383 : vector<16xi32> to vector<16xi32>
      %swap3A_385 = vector.shape_cast %get3A_381 : vector<16xi32> to vector<16xi32>
      tpu.vector_store %arg16[%swap3A_382], %swap3A_385 {strides = array<i32>} : memref<128xi32, #tpu.memory_space<vmem>>, vector<16xi32>,
      %get3A_386 = arith.constant 96 : index
      %get3A_387 = tpu.vector_load %arg14[%get3A_386] {strides = array<i32>} : memref<128xi32, #tpu.memory_space<vmem>>, vector<16xi32>,
      %get3A_388 = vector.shape_cast %get3A_387 : vector<16xi32> to vector<16xi32>
      %swap3A_389 = arith.constant 96 : index
      %swap3A_390 = tpu.vector_load %arg16[%swap3A_389] {strides = array<i32>} : memref<128xi32, #tpu.memory_space<vmem>>, vector<16xi32>,
      %swap3A_391 = vector.shape_cast %swap3A_390 : vector<16xi32> to vector<16xi32>
      %swap3A_392 = vector.shape_cast %get3A_388 : vector<16xi32> to vector<16xi32>
      tpu.vector_store %arg16[%swap3A_389], %swap3A_392 {strides = array<i32>} : memref<128xi32, #tpu.memory_space<vmem>>, vector<16xi32>,
      %get3A_393 = arith.constant 112 : index
      %get3A_394 = tpu.vector_load %arg14[%get3A_393] {strides = array<i32>} : memref<128xi32, #tpu.memory_space<vmem>>, vector<16xi32>,
      %get3A_395 = vector.shape_cast %get3A_394 : vector<16xi32> to vector<16xi32>
      %swap3A_396 = arith.constant 112 : index
      %swap3A_397 = tpu.vector_load %arg16[%swap3A_396] {strides = array<i32>} : memref<128xi32, #tpu.memory_space<vmem>>, vector<16xi32>,
      %swap3A_398 = vector.shape_cast %swap3A_397 : vector<16xi32> to vector<16xi32>
      %swap3A_399 = vector.shape_cast %get3A_395 : vector<16xi32> to vector<16xi32>
      tpu.vector_store %arg16[%swap3A_396], %swap3A_399 {strides = array<i32>} : memref<128xi32, #tpu.memory_space<vmem>>, vector<16xi32>,
      %add3A_400 = arith.constant 3 : i32
      %add3A_401 = arith.addi %mul3A_229, %add3A_400 : i32
      %add3A_402 = arith.addi %mul3A_65, %add3A_401 : i32
      %mul3A_403 = arith.constant 128 : i32
      %mul3A_404 = arith.muli %add3A_402, %mul3A_403 : i32
      %dma_start3A_405 = arith.constant 1 : i32
      %dma_start3A_406 = tpu.memref_slice %arg2[%dma_start3A_405, %mul3A_404] : memref<2x320000xi32, #tpu.memory_space<hbm>> -> memref<1x128xi32, #tpu.memory_space<hbm>>
      %dma_start3A_407 = tpu.memref_squeeze %dma_start3A_406 : memref<1x128xi32, #tpu.memory_space<hbm>> -> memref<128xi32, #tpu.memory_space<hbm>>
      %dma_start3A_408 = tpu.memref_slice %arg2[%dma_start3A_405, %mul3A_404] : memref<2x320000xi32, #tpu.memory_space<hbm>> -> memref<1x128xi32, #tpu.memory_space<hbm>>
      %dma_start3A_409 = tpu.memref_squeeze %dma_start3A_408 : memref<1x128xi32, #tpu.memory_space<hbm>> -> memref<128xi32, #tpu.memory_space<hbm>>
      tpu.enqueue_dma source(%dma_start3A_409 : memref<128xi32, #tpu.memory_space<hbm>>) target(%arg12 : memref<128xi32, #tpu.memory_space<vmem>>) target_semaphore(%arg24 : memref<!tpu.dma_semaphore, #tpu.memory_space<semaphore_mem>>)
      %dma_start3A_410 = arith.constant 0 : i32
      %dma_start3A_411 = tpu.memref_slice %arg2[%dma_start3A_410, %mul3A_404] : memref<2x320000xi32, #tpu.memory_space<hbm>> -> memref<1x128xi32, #tpu.memory_space<hbm>>
      %dma_start3A_412 = tpu.memref_squeeze %dma_start3A_411 : memref<1x128xi32, #tpu.memory_space<hbm>> -> memref<128xi32, #tpu.memory_space<hbm>>
      %dma_start3A_413 = tpu.memref_slice %arg2[%dma_start3A_410, %mul3A_404] : memref<2x320000xi32, #tpu.memory_space<hbm>> -> memref<1x128xi32, #tpu.memory_space<hbm>>
      %dma_start3A_414 = tpu.memref_squeeze %dma_start3A_413 : memref<1x128xi32, #tpu.memory_space<hbm>> -> memref<128xi32, #tpu.memory_space<hbm>>
      tpu.enqueue_dma source(%dma_start3A_414 : memref<128xi32, #tpu.memory_space<hbm>>) target(%arg14 : memref<128xi32, #tpu.memory_space<vmem>>) target_semaphore(%arg24 : memref<!tpu.dma_semaphore, #tpu.memory_space<semaphore_mem>>)
      %dma_start3A_415 = arith.constant 0 : i32
      %dma_start3A_416 = arith.constant 0 : i32
      %dma_start3A_417 = tpu.memref_slice %arg9[%dma_start3A_415, %dma_start3A_416] : memref<10112x128xf32, #tpu.memory_space<vmem_shared>> -> memref<10112x128xf32, #tpu.memory_space<vmem_shared>>
      tpu.enqueue_indirect_dma source(%arg18 : memref<128x128xf32, #tpu.memory_space<vmem>>) target(%dma_start3A_417 : memref<10112x128xf32, #tpu.memory_space<vmem_shared>>) offsets(%arg16 : memref<128xi32, #tpu.memory_space<vmem>>) semaphore(%arg26 : memref<!tpu.dma_semaphore, #tpu.memory_space<semaphore_mem>>) {add = true}
      %dma_start3A_418 = arith.constant 0 : i32
      %dma_start3A_419 = tpu.memref_slice %arg10[%dma_start3A_418] : memref<10112xf32, #tpu.memory_space<vmem_shared>> -> memref<10112xf32, #tpu.memory_space<vmem_shared>>
      tpu.enqueue_indirect_dma source(%arg20 : memref<128xf32, #tpu.memory_space<vmem>>) target(%dma_start3A_419 : memref<10112xf32, #tpu.memory_space<vmem_shared>>) offsets(%arg16 : memref<128xi32, #tpu.memory_space<vmem>>) semaphore(%arg26 : memref<!tpu.dma_semaphore, #tpu.memory_space<semaphore_mem>>) {add = true}
      %add3A_420 = arith.constant 3 : i32
      %add3A_421 = arith.addi %mul3A_229, %add3A_420 : i32
      %add3A_422 = arith.addi %mul3A_65, %add3A_421 : i32
      %mul3A_423 = arith.constant 128 : i32
      %mul3A_424 = arith.muli %add3A_422, %mul3A_423 : i32
      %dma_wait3A_425 = arith.constant 1 : i32
      %dma_wait3A_426 = tpu.memref_slice %arg2[%dma_wait3A_425, %mul3A_424] : memref<2x320000xi32, #tpu.memory_space<hbm>> -> memref<1x128xi32, #tpu.memory_space<hbm>>
      %dma_wait3A_427 = tpu.memref_squeeze %dma_wait3A_426 : memref<1x128xi32, #tpu.memory_space<hbm>> -> memref<128xi32, #tpu.memory_space<hbm>>
      %dma_wait3A_428 = tpu.memref_slice %arg2[%dma_wait3A_425, %mul3A_424] : memref<2x320000xi32, #tpu.memory_space<hbm>> -> memref<1x128xi32, #tpu.memory_space<hbm>>
      %dma_wait3A_429 = tpu.memref_squeeze %dma_wait3A_428 : memref<1x128xi32, #tpu.memory_space<hbm>> -> memref<128xi32, #tpu.memory_space<hbm>>
      tpu.wait_dma2 semaphore(%arg24 : memref<!tpu.dma_semaphore, #tpu.memory_space<semaphore_mem>>) src(%dma_wait3A_429 : memref<128xi32, #tpu.memory_space<hbm>>) dst(%arg12 : memref<128xi32, #tpu.memory_space<vmem>>)
      %dma_wait3A_430 = arith.constant 0 : i32
      %dma_wait3A_431 = tpu.memref_slice %arg2[%dma_wait3A_430, %mul3A_424] : memref<2x320000xi32, #tpu.memory_space<hbm>> -> memref<1x128xi32, #tpu.memory_space<hbm>>
      %dma_wait3A_432 = tpu.memref_squeeze %dma_wait3A_431 : memref<1x128xi32, #tpu.memory_space<hbm>> -> memref<128xi32, #tpu.memory_space<hbm>>
      %dma_wait3A_433 = tpu.memref_slice %arg2[%dma_wait3A_430, %mul3A_424] : memref<2x320000xi32, #tpu.memory_space<hbm>> -> memref<1x128xi32, #tpu.memory_space<hbm>>
      %dma_wait3A_434 = tpu.memref_squeeze %dma_wait3A_433 : memref<1x128xi32, #tpu.memory_space<hbm>> -> memref<128xi32, #tpu.memory_space<hbm>>
      tpu.wait_dma2 semaphore(%arg24 : memref<!tpu.dma_semaphore, #tpu.memory_space<semaphore_mem>>) src(%dma_wait3A_434 : memref<128xi32, #tpu.memory_space<hbm>>) dst(%arg14 : memref<128xi32, #tpu.memory_space<vmem>>)
      %dma_wait3A_435 = arith.constant 0 : i32
      %dma_wait3A_436 = arith.constant 0 : i32
      %dma_wait3A_437 = tpu.memref_slice %arg9[%dma_wait3A_435, %dma_wait3A_436] : memref<10112x128xf32, #tpu.memory_space<vmem_shared>> -> memref<10112x128xf32, #tpu.memory_space<vmem_shared>>
      tpu.wait_indirect_dma semaphore(%arg26 : memref<!tpu.dma_semaphore, #tpu.memory_space<semaphore_mem>>) src(%arg18 : memref<128x128xf32, #tpu.memory_space<vmem>>) dst(%dma_wait3A_437 : memref<10112x128xf32, #tpu.memory_space<vmem_shared>>)
      %dma_wait3A_438 = arith.constant 0 : i32
      %dma_wait3A_439 = tpu.memref_slice %arg10[%dma_wait3A_438] : memref<10112xf32, #tpu.memory_space<vmem_shared>> -> memref<10112xf32, #tpu.memory_space<vmem_shared>>
      tpu.wait_indirect_dma semaphore(%arg26 : memref<!tpu.dma_semaphore, #tpu.memory_space<semaphore_mem>>) src(%arg20 : memref<128xf32, #tpu.memory_space<vmem>>) dst(%dma_wait3A_439 : memref<10112xf32, #tpu.memory_space<vmem_shared>>)
    }
    %dma_start3A_136 = arith.constant 0 : i32
    %dma_start3A_137 = arith.constant 0 : i32
    %dma_start3A_138 = tpu.memref_slice %arg3[%dma_start3A_136, %dma_start3A_137] : memref<10000x128xf32, #tpu.memory_space<hbm>> -> memref<10000x128xf32, #tpu.memory_space<hbm>>
    tpu.enqueue_indirect_dma source(%dma_start3A_138 : memref<10000x128xf32, #tpu.memory_space<hbm>>) target(%arg18 : memref<128x128xf32, #tpu.memory_space<vmem>>) offsets(%arg12 : memref<128xi32, #tpu.memory_space<vmem>>) semaphore(%arg22 : memref<!tpu.dma_semaphore, #tpu.memory_space<semaphore_mem>>)
    %dma_start3A_139 = arith.constant 0 : i32
    %dma_start3A_140 = tpu.memref_slice %arg4[%dma_start3A_139] : memref<10000xf32, #tpu.memory_space<hbm>> -> memref<10000xf32, #tpu.memory_space<hbm>>
    tpu.enqueue_indirect_dma source(%dma_start3A_140 : memref<10000xf32, #tpu.memory_space<hbm>>) target(%arg20 : memref<128xf32, #tpu.memory_space<vmem>>) offsets(%arg12 : memref<128xi32, #tpu.memory_space<vmem>>) semaphore(%arg22 : memref<!tpu.dma_semaphore, #tpu.memory_space<semaphore_mem>>)
    %dma_wait3A_141 = arith.constant 0 : i32
    %dma_wait3A_142 = arith.constant 0 : i32
    %dma_wait3A_143 = tpu.memref_slice %arg3[%dma_wait3A_141, %dma_wait3A_142] : memref<10000x128xf32, #tpu.memory_space<hbm>> -> memref<10000x128xf32, #tpu.memory_space<hbm>>
    tpu.wait_indirect_dma semaphore(%arg21 : memref<!tpu.dma_semaphore, #tpu.memory_space<semaphore_mem>>) src(%dma_wait3A_143 : memref<10000x128xf32, #tpu.memory_space<hbm>>) dst(%arg17 : memref<128x128xf32, #tpu.memory_space<vmem>>)
    %dma_wait3A_144 = arith.constant 0 : i32
    %dma_wait3A_145 = tpu.memref_slice %arg4[%dma_wait3A_144] : memref<10000xf32, #tpu.memory_space<hbm>> -> memref<10000xf32, #tpu.memory_space<hbm>>
    tpu.wait_indirect_dma semaphore(%arg21 : memref<!tpu.dma_semaphore, #tpu.memory_space<semaphore_mem>>) src(%dma_wait3A_145 : memref<10000xf32, #tpu.memory_space<hbm>>) dst(%arg19 : memref<128xf32, #tpu.memory_space<vmem>>)
    %dma_start3A_146 = arith.constant 0 : i32
    %dma_start3A_147 = arith.constant 0 : i32
    %dma_start3A_148 = tpu.memref_slice %arg9[%dma_start3A_146, %dma_start3A_147] : memref<10112x128xf32, #tpu.memory_space<vmem_shared>> -> memref<10112x128xf32, #tpu.memory_space<vmem_shared>>
    tpu.enqueue_indirect_dma source(%arg17 : memref<128x128xf32, #tpu.memory_space<vmem>>) target(%dma_start3A_148 : memref<10112x128xf32, #tpu.memory_space<vmem_shared>>) offsets(%arg13 : memref<128xi32, #tpu.memory_space<vmem>>) semaphore(%arg25 : memref<!tpu.dma_semaphore, #tpu.memory_space<semaphore_mem>>) {add = true}
    %dma_start3A_149 = arith.constant 0 : i32
    %dma_start3A_150 = tpu.memref_slice %arg10[%dma_start3A_149] : memref<10112xf32, #tpu.memory_space<vmem_shared>> -> memref<10112xf32, #tpu.memory_space<vmem_shared>>
    tpu.enqueue_indirect_dma source(%arg19 : memref<128xf32, #tpu.memory_space<vmem>>) target(%dma_start3A_150 : memref<10112xf32, #tpu.memory_space<vmem_shared>>) offsets(%arg13 : memref<128xi32, #tpu.memory_space<vmem>>) semaphore(%arg25 : memref<!tpu.dma_semaphore, #tpu.memory_space<semaphore_mem>>) {add = true}
    %dma_wait3A_151 = arith.constant 0 : i32
    %dma_wait3A_152 = arith.constant 0 : i32
    %dma_wait3A_153 = tpu.memref_slice %arg3[%dma_wait3A_151, %dma_wait3A_152] : memref<10000x128xf32, #tpu.memory_space<hbm>> -> memref<10000x128xf32, #tpu.memory_space<hbm>>
    tpu.wait_indirect_dma semaphore(%arg22 : memref<!tpu.dma_semaphore, #tpu.memory_space<semaphore_mem>>) src(%dma_wait3A_153 : memref<10000x128xf32, #tpu.memory_space<hbm>>) dst(%arg18 : memref<128x128xf32, #tpu.memory_space<vmem>>)
    %dma_wait3A_154 = arith.constant 0 : i32
    %dma_wait3A_155 = tpu.memref_slice %arg4[%dma_wait3A_154] : memref<10000xf32, #tpu.memory_space<hbm>> -> memref<10000xf32, #tpu.memory_space<hbm>>
    tpu.wait_indirect_dma semaphore(%arg22 : memref<!tpu.dma_semaphore, #tpu.memory_space<semaphore_mem>>) src(%dma_wait3A_155 : memref<10000xf32, #tpu.memory_space<hbm>>) dst(%arg20 : memref<128xf32, #tpu.memory_space<vmem>>)
    %dma_start3A_156 = arith.constant 0 : i32
    %dma_start3A_157 = arith.constant 0 : i32
    %dma_start3A_158 = tpu.memref_slice %arg9[%dma_start3A_156, %dma_start3A_157] : memref<10112x128xf32, #tpu.memory_space<vmem_shared>> -> memref<10112x128xf32, #tpu.memory_space<vmem_shared>>
    tpu.enqueue_indirect_dma source(%arg18 : memref<128x128xf32, #tpu.memory_space<vmem>>) target(%dma_start3A_158 : memref<10112x128xf32, #tpu.memory_space<vmem_shared>>) offsets(%arg14 : memref<128xi32, #tpu.memory_space<vmem>>) semaphore(%arg26 : memref<!tpu.dma_semaphore, #tpu.memory_space<semaphore_mem>>) {add = true}
    %dma_start3A_159 = arith.constant 0 : i32
    %dma_start3A_160 = tpu.memref_slice %arg10[%dma_start3A_159] : memref<10112xf32, #tpu.memory_space<vmem_shared>> -> memref<10112xf32, #tpu.memory_space<vmem_shared>>
    tpu.enqueue_indirect_dma source(%arg20 : memref<128xf32, #tpu.memory_space<vmem>>) target(%dma_start3A_160 : memref<10112xf32, #tpu.memory_space<vmem_shared>>) offsets(%arg14 : memref<128xi32, #tpu.memory_space<vmem>>) semaphore(%arg26 : memref<!tpu.dma_semaphore, #tpu.memory_space<semaphore_mem>>) {add = true}
    %dma_wait3A_161 = arith.constant 0 : i32
    %dma_wait3A_162 = arith.constant 0 : i32
    %dma_wait3A_163 = tpu.memref_slice %arg9[%dma_wait3A_161, %dma_wait3A_162] : memref<10112x128xf32, #tpu.memory_space<vmem_shared>> -> memref<10112x128xf32, #tpu.memory_space<vmem_shared>>
    tpu.wait_indirect_dma semaphore(%arg25 : memref<!tpu.dma_semaphore, #tpu.memory_space<semaphore_mem>>) src(%arg17 : memref<128x128xf32, #tpu.memory_space<vmem>>) dst(%dma_wait3A_163 : memref<10112x128xf32, #tpu.memory_space<vmem_shared>>)
    %dma_wait3A_164 = arith.constant 0 : i32
    %dma_wait3A_165 = tpu.memref_slice %arg10[%dma_wait3A_164] : memref<10112xf32, #tpu.memory_space<vmem_shared>> -> memref<10112xf32, #tpu.memory_space<vmem_shared>>
    tpu.wait_indirect_dma semaphore(%arg25 : memref<!tpu.dma_semaphore, #tpu.memory_space<semaphore_mem>>) src(%arg19 : memref<128xf32, #tpu.memory_space<vmem>>) dst(%dma_wait3A_165 : memref<10112xf32, #tpu.memory_space<vmem_shared>>)
    %dma_wait3A_166 = arith.constant 0 : i32
    %dma_wait3A_167 = arith.constant 0 : i32
    %dma_wait3A_168 = tpu.memref_slice %arg9[%dma_wait3A_166, %dma_wait3A_167] : memref<10112x128xf32, #tpu.memory_space<vmem_shared>> -> memref<10112x128xf32, #tpu.memory_space<vmem_shared>>
    tpu.wait_indirect_dma semaphore(%arg26 : memref<!tpu.dma_semaphore, #tpu.memory_space<semaphore_mem>>) src(%arg18 : memref<128x128xf32, #tpu.memory_space<vmem>>) dst(%dma_wait3A_168 : memref<10112x128xf32, #tpu.memory_space<vmem_shared>>)
    %dma_wait3A_169 = arith.constant 0 : i32
    %dma_wait3A_170 = tpu.memref_slice %arg10[%dma_wait3A_169] : memref<10112xf32, #tpu.memory_space<vmem_shared>> -> memref<10112xf32, #tpu.memory_space<vmem_shared>>
    tpu.wait_indirect_dma semaphore(%arg26 : memref<!tpu.dma_semaphore, #tpu.memory_space<semaphore_mem>>) src(%arg20 : memref<128xf32, #tpu.memory_space<vmem>>) dst(%dma_wait3A_170 : memref<10112xf32, #tpu.memory_space<vmem_shared>>)
    %barrier3A_171 = arith.constant 0 : index
    tpu.barrier barrier_id(%barrier3A_171)
    %add3A_172 = arith.constant 0 : i32
    %add3A_173 = arith.addi %mul3A_0, %add3A_172 : i32
    %add3A_174 = arith.constant 0 : i32
    %add3A_175 = arith.addi %mul3A_0, %add3A_174 : i32
    "tpu.region"() ({
      %run_scoped3A = tpu.sem_alloc : memref<!tpu.dma_semaphore, #tpu.memory_space<semaphore_mem>>
      %dma_start3A_227 = arith.constant 0 : i32
      %dma_start3A_228 = tpu.memref_slice %arg7[%arg0, %add3A_175, %dma_start3A_227] : memref<2x10112x128xf32, #tpu.memory_space<hbm>> -> memref<1x128x128xf32, #tpu.memory_space<hbm>>
      %dma_start3A_229 = tpu.memref_squeeze %dma_start3A_228 : memref<1x128x128xf32, #tpu.memory_space<hbm>> -> memref<128x128xf32, #tpu.memory_space<hbm>>
      %dma_start3A_230 = arith.constant 0 : i32
      %dma_start3A_231 = tpu.memref_slice %arg9[%add3A_173, %dma_start3A_230] : memref<10112x128xf32, #tpu.memory_space<vmem_shared>> -> memref<128x128xf32, #tpu.memory_space<vmem_shared>>
      tpu.enqueue_dma source(%dma_start3A_231 : memref<128x128xf32, #tpu.memory_space<vmem_shared>>) target(%dma_start3A_229 : memref<128x128xf32, #tpu.memory_space<hbm>>) target_semaphore(%run_scoped3A : memref<!tpu.dma_semaphore, #tpu.memory_space<semaphore_mem>>)
      %dma_wait3A_232 = arith.constant 0 : i32
      %dma_wait3A_233 = tpu.memref_slice %arg7[%arg0, %add3A_175, %dma_wait3A_232] : memref<2x10112x128xf32, #tpu.memory_space<hbm>> -> memref<1x128x128xf32, #tpu.memory_space<hbm>>
      %dma_wait3A_234 = tpu.memref_squeeze %dma_wait3A_233 : memref<1x128x128xf32, #tpu.memory_space<hbm>> -> memref<128x128xf32, #tpu.memory_space<hbm>>
      %dma_wait3A_235 = arith.constant 0 : i32
      %dma_wait3A_236 = tpu.memref_slice %arg9[%add3A_173, %dma_wait3A_235] : memref<10112x128xf32, #tpu.memory_space<vmem_shared>> -> memref<128x128xf32, #tpu.memory_space<vmem_shared>>
      tpu.wait_dma2 semaphore(%run_scoped3A : memref<!tpu.dma_semaphore, #tpu.memory_space<semaphore_mem>>) src(%dma_wait3A_236 : memref<128x128xf32, #tpu.memory_space<vmem_shared>>) dst(%dma_wait3A_234 : memref<128x128xf32, #tpu.memory_space<hbm>>)
      tpu.yield
    }) : () -> ()
    %add3A_176 = arith.constant 128 : i32
    %add3A_177 = arith.addi %mul3A_0, %add3A_176 : i32
    %add3A_178 = arith.constant 128 : i32
    %add3A_179 = arith.addi %mul3A_0, %add3A_178 : i32
    "tpu.region"() ({
      %run_scoped3A = tpu.sem_alloc : memref<!tpu.dma_semaphore, #tpu.memory_space<semaphore_mem>>
      %dma_start3A_227 = arith.constant 0 : i32
      %dma_start3A_228 = tpu.memref_slice %arg7[%arg0, %add3A_179, %dma_start3A_227] : memref<2x10112x128xf32, #tpu.memory_space<hbm>> -> memref<1x128x128xf32, #tpu.memory_space<hbm>>
      %dma_start3A_229 = tpu.memref_squeeze %dma_start3A_228 : memref<1x128x128xf32, #tpu.memory_space<hbm>> -> memref<128x128xf32, #tpu.memory_space<hbm>>
      %dma_start3A_230 = arith.constant 0 : i32
      %dma_start3A_231 = tpu.memref_slice %arg9[%add3A_177, %dma_start3A_230] : memref<10112x128xf32, #tpu.memory_space<vmem_shared>> -> memref<128x128xf32, #tpu.memory_space<vmem_shared>>
      tpu.enqueue_dma source(%dma_start3A_231 : memref<128x128xf32, #tpu.memory_space<vmem_shared>>) target(%dma_start3A_229 : memref<128x128xf32, #tpu.memory_space<hbm>>) target_semaphore(%run_scoped3A : memref<!tpu.dma_semaphore, #tpu.memory_space<semaphore_mem>>)
      %dma_wait3A_232 = arith.constant 0 : i32
      %dma_wait3A_233 = tpu.memref_slice %arg7[%arg0, %add3A_179, %dma_wait3A_232] : memref<2x10112x128xf32, #tpu.memory_space<hbm>> -> memref<1x128x128xf32, #tpu.memory_space<hbm>>
      %dma_wait3A_234 = tpu.memref_squeeze %dma_wait3A_233 : memref<1x128x128xf32, #tpu.memory_space<hbm>> -> memref<128x128xf32, #tpu.memory_space<hbm>>
      %dma_wait3A_235 = arith.constant 0 : i32
      %dma_wait3A_236 = tpu.memref_slice %arg9[%add3A_177, %dma_wait3A_235] : memref<10112x128xf32, #tpu.memory_space<vmem_shared>> -> memref<128x128xf32, #tpu.memory_space<vmem_shared>>
      tpu.wait_dma2 semaphore(%run_scoped3A : memref<!tpu.dma_semaphore, #tpu.memory_space<semaphore_mem>>) src(%dma_wait3A_236 : memref<128x128xf32, #tpu.memory_space<vmem_shared>>) dst(%dma_wait3A_234 : memref<128x128xf32, #tpu.memory_space<hbm>>)
      tpu.yield
    }) : () -> ()
    %add3A_180 = arith.constant 256 : i32
    %add3A_181 = arith.addi %mul3A_0, %add3A_180 : i32
    %add3A_182 = arith.constant 256 : i32
    %add3A_183 = arith.addi %mul3A_0, %add3A_182 : i32
    "tpu.region"() ({
      %run_scoped3A = tpu.sem_alloc : memref<!tpu.dma_semaphore, #tpu.memory_space<semaphore_mem>>
      %dma_start3A_227 = arith.constant 0 : i32
      %dma_start3A_228 = tpu.memref_slice %arg7[%arg0, %add3A_183, %dma_start3A_227] : memref<2x10112x128xf32, #tpu.memory_space<hbm>> -> memref<1x128x128xf32, #tpu.memory_space<hbm>>
      %dma_start3A_229 = tpu.memref_squeeze %dma_start3A_228 : memref<1x128x128xf32, #tpu.memory_space<hbm>> -> memref<128x128xf32, #tpu.memory_space<hbm>>
      %dma_start3A_230 = arith.constant 0 : i32
      %dma_start3A_231 = tpu.memref_slice %arg9[%add3A_181, %dma_start3A_230] : memref<10112x128xf32, #tpu.memory_space<vmem_shared>> -> memref<128x128xf32, #tpu.memory_space<vmem_shared>>
      tpu.enqueue_dma source(%dma_start3A_231 : memref<128x128xf32, #tpu.memory_space<vmem_shared>>) target(%dma_start3A_229 : memref<128x128xf32, #tpu.memory_space<hbm>>) target_semaphore(%run_scoped3A : memref<!tpu.dma_semaphore, #tpu.memory_space<semaphore_mem>>)
      %dma_wait3A_232 = arith.constant 0 : i32
      %dma_wait3A_233 = tpu.memref_slice %arg7[%arg0, %add3A_183, %dma_wait3A_232] : memref<2x10112x128xf32, #tpu.memory_space<hbm>> -> memref<1x128x128xf32, #tpu.memory_space<hbm>>
      %dma_wait3A_234 = tpu.memref_squeeze %dma_wait3A_233 : memref<1x128x128xf32, #tpu.memory_space<hbm>> -> memref<128x128xf32, #tpu.memory_space<hbm>>
      %dma_wait3A_235 = arith.constant 0 : i32
      %dma_wait3A_236 = tpu.memref_slice %arg9[%add3A_181, %dma_wait3A_235] : memref<10112x128xf32, #tpu.memory_space<vmem_shared>> -> memref<128x128xf32, #tpu.memory_space<vmem_shared>>
      tpu.wait_dma2 semaphore(%run_scoped3A : memref<!tpu.dma_semaphore, #tpu.memory_space<semaphore_mem>>) src(%dma_wait3A_236 : memref<128x128xf32, #tpu.memory_space<vmem_shared>>) dst(%dma_wait3A_234 : memref<128x128xf32, #tpu.memory_space<hbm>>)
      tpu.yield
    }) : () -> ()
    %add3A_184 = arith.constant 384 : i32
    %add3A_185 = arith.addi %mul3A_0, %add3A_184 : i32
    %add3A_186 = arith.constant 384 : i32
    %add3A_187 = arith.addi %mul3A_0, %add3A_186 : i32
    "tpu.region"() ({
      %run_scoped3A = tpu.sem_alloc : memref<!tpu.dma_semaphore, #tpu.memory_space<semaphore_mem>>
      %dma_start3A_227 = arith.constant 0 : i32
      %dma_start3A_228 = tpu.memref_slice %arg7[%arg0, %add3A_187, %dma_start3A_227] : memref<2x10112x128xf32, #tpu.memory_space<hbm>> -> memref<1x128x128xf32, #tpu.memory_space<hbm>>
      %dma_start3A_229 = tpu.memref_squeeze %dma_start3A_228 : memref<1x128x128xf32, #tpu.memory_space<hbm>> -> memref<128x128xf32, #tpu.memory_space<hbm>>
      %dma_start3A_230 = arith.constant 0 : i32
      %dma_start3A_231 = tpu.memref_slice %arg9[%add3A_185, %dma_start3A_230] : memref<10112x128xf32, #tpu.memory_space<vmem_shared>> -> memref<128x128xf32, #tpu.memory_space<vmem_shared>>
      tpu.enqueue_dma source(%dma_start3A_231 : memref<128x128xf32, #tpu.memory_space<vmem_shared>>) target(%dma_start3A_229 : memref<128x128xf32, #tpu.memory_space<hbm>>) target_semaphore(%run_scoped3A : memref<!tpu.dma_semaphore, #tpu.memory_space<semaphore_mem>>)
      %dma_wait3A_232 = arith.constant 0 : i32
      %dma_wait3A_233 = tpu.memref_slice %arg7[%arg0, %add3A_187, %dma_wait3A_232] : memref<2x10112x128xf32, #tpu.memory_space<hbm>> -> memref<1x128x128xf32, #tpu.memory_space<hbm>>
      %dma_wait3A_234 = tpu.memref_squeeze %dma_wait3A_233 : memref<1x128x128xf32, #tpu.memory_space<hbm>> -> memref<128x128xf32, #tpu.memory_space<hbm>>
      %dma_wait3A_235 = arith.constant 0 : i32
      %dma_wait3A_236 = tpu.memref_slice %arg9[%add3A_185, %dma_wait3A_235] : memref<10112x128xf32, #tpu.memory_space<vmem_shared>> -> memref<128x128xf32, #tpu.memory_space<vmem_shared>>
      tpu.wait_dma2 semaphore(%run_scoped3A : memref<!tpu.dma_semaphore, #tpu.memory_space<semaphore_mem>>) src(%dma_wait3A_236 : memref<128x128xf32, #tpu.memory_space<vmem_shared>>) dst(%dma_wait3A_234 : memref<128x128xf32, #tpu.memory_space<hbm>>)
      tpu.yield
    }) : () -> ()
    %add3A_188 = arith.constant 512 : i32
    %add3A_189 = arith.addi %mul3A_0, %add3A_188 : i32
    %add3A_190 = arith.constant 512 : i32
    %add3A_191 = arith.addi %mul3A_0, %add3A_190 : i32
    "tpu.region"() ({
      %run_scoped3A = tpu.sem_alloc : memref<!tpu.dma_semaphore, #tpu.memory_space<semaphore_mem>>
      %dma_start3A_227 = arith.constant 0 : i32
      %dma_start3A_228 = tpu.memref_slice %arg7[%arg0, %add3A_191, %dma_start3A_227] : memref<2x10112x128xf32, #tpu.memory_space<hbm>> -> memref<1x120x128xf32, #tpu.memory_space<hbm>>
      %dma_start3A_229 = tpu.memref_squeeze %dma_start3A_228 : memref<1x120x128xf32, #tpu.memory_space<hbm>> -> memref<120x128xf32, #tpu.memory_space<hbm>>
      %dma_start3A_230 = arith.constant 0 : i32
      %dma_start3A_231 = tpu.memref_slice %arg9[%add3A_189, %dma_start3A_230] : memref<10112x128xf32, #tpu.memory_space<vmem_shared>> -> memref<120x128xf32, #tpu.memory_space<vmem_shared>>
      tpu.enqueue_dma source(%dma_start3A_231 : memref<120x128xf32, #tpu.memory_space<vmem_shared>>) target(%dma_start3A_229 : memref<120x128xf32, #tpu.memory_space<hbm>>) target_semaphore(%run_scoped3A : memref<!tpu.dma_semaphore, #tpu.memory_space<semaphore_mem>>)
      %dma_wait3A_232 = arith.constant 0 : i32
      %dma_wait3A_233 = tpu.memref_slice %arg7[%arg0, %add3A_191, %dma_wait3A_232] : memref<2x10112x128xf32, #tpu.memory_space<hbm>> -> memref<1x120x128xf32, #tpu.memory_space<hbm>>
      %dma_wait3A_234 = tpu.memref_squeeze %dma_wait3A_233 : memref<1x120x128xf32, #tpu.memory_space<hbm>> -> memref<120x128xf32, #tpu.memory_space<hbm>>
      %dma_wait3A_235 = arith.constant 0 : i32
      %dma_wait3A_236 = tpu.memref_slice %arg9[%add3A_189, %dma_wait3A_235] : memref<10112x128xf32, #tpu.memory_space<vmem_shared>> -> memref<120x128xf32, #tpu.memory_space<vmem_shared>>
      tpu.wait_dma2 semaphore(%run_scoped3A : memref<!tpu.dma_semaphore, #tpu.memory_space<semaphore_mem>>) src(%dma_wait3A_236 : memref<120x128xf32, #tpu.memory_space<vmem_shared>>) dst(%dma_wait3A_234 : memref<120x128xf32, #tpu.memory_space<hbm>>)
      tpu.yield
    }) : () -> ()
    %add3A_192 = arith.constant 0 : i32
    %add3A_193 = arith.addi %mul3A_0, %add3A_192 : i32
    "tpu.region"() ({
      %run_scoped3A = tpu.sem_alloc : memref<!tpu.dma_semaphore, #tpu.memory_space<semaphore_mem>>
      %dma_start3A_227 = arith.constant 0 : i32
      %dma_start3A_228 = tpu.memref_slice %arg19[%dma_start3A_227] : memref<128xf32, #tpu.memory_space<vmem>> -> memref<128xf32, #tpu.memory_space<vmem>>
      %dma_start3A_229 = tpu.memref_slice %arg10[%add3A_193] : memref<10112xf32, #tpu.memory_space<vmem_shared>> -> memref<128xf32, #tpu.memory_space<vmem_shared>>
      %dma_start3A_230 = arith.constant 0 : i32
      %dma_start3A_231 = tpu.memref_slice %arg19[%dma_start3A_230] : memref<128xf32, #tpu.memory_space<vmem>> -> memref<128xf32, #tpu.memory_space<vmem>>
      %dma_start3A_232 = tpu.memref_slice %arg10[%add3A_193] : memref<10112xf32, #tpu.memory_space<vmem_shared>> -> memref<128xf32, #tpu.memory_space<vmem_shared>>
      tpu.enqueue_dma source(%dma_start3A_232 : memref<128xf32, #tpu.memory_space<vmem_shared>>) target(%dma_start3A_231 : memref<128xf32, #tpu.memory_space<vmem>>) target_semaphore(%run_scoped3A : memref<!tpu.dma_semaphore, #tpu.memory_space<semaphore_mem>>)
      %dma_wait3A_233 = arith.constant 0 : i32
      %dma_wait3A_234 = tpu.memref_slice %arg19[%dma_wait3A_233] : memref<128xf32, #tpu.memory_space<vmem>> -> memref<128xf32, #tpu.memory_space<vmem>>
      %dma_wait3A_235 = tpu.memref_slice %arg10[%add3A_193] : memref<10112xf32, #tpu.memory_space<vmem_shared>> -> memref<128xf32, #tpu.memory_space<vmem_shared>>
      %dma_wait3A_236 = arith.constant 0 : i32
      %dma_wait3A_237 = tpu.memref_slice %arg19[%dma_wait3A_236] : memref<128xf32, #tpu.memory_space<vmem>> -> memref<128xf32, #tpu.memory_space<vmem>>
      %dma_wait3A_238 = tpu.memref_slice %arg10[%add3A_193] : memref<10112xf32, #tpu.memory_space<vmem_shared>> -> memref<128xf32, #tpu.memory_space<vmem_shared>>
      tpu.wait_dma2 semaphore(%run_scoped3A : memref<!tpu.dma_semaphore, #tpu.memory_space<semaphore_mem>>) src(%dma_wait3A_238 : memref<128xf32, #tpu.memory_space<vmem_shared>>) dst(%dma_wait3A_237 : memref<128xf32, #tpu.memory_space<vmem>>)
      tpu.yield
    }) : () -> ()
    %mul3A_194 = arith.constant 10112 : i32
    %mul3A_195 = arith.muli %arg0, %mul3A_194 : i32
    %add3A_196 = arith.addi %mul3A_195, %mul3A_0 : i32
    %add3A_197 = arith.constant 0 : i32
    %add3A_198 = arith.addi %add3A_196, %add3A_197 : i32
    "tpu.region"() ({
      %run_scoped3A = tpu.sem_alloc : memref<!tpu.dma_semaphore, #tpu.memory_space<semaphore_mem>>
      %dma_start3A_227 = arith.constant 0 : i32
      %dma_start3A_228 = tpu.memref_slice %arg19[%dma_start3A_227] : memref<128xf32, #tpu.memory_space<vmem>> -> memref<128xf32, #tpu.memory_space<vmem>>
      %dma_start3A_229 = tpu.memref_slice %arg8[%add3A_198] : memref<20224xf32, #tpu.memory_space<hbm>> -> memref<128xf32, #tpu.memory_space<hbm>>
      %dma_start3A_230 = tpu.memref_slice %arg8[%add3A_198] : memref<20224xf32, #tpu.memory_space<hbm>> -> memref<128xf32, #tpu.memory_space<hbm>>
      %dma_start3A_231 = arith.constant 0 : i32
      %dma_start3A_232 = tpu.memref_slice %arg19[%dma_start3A_231] : memref<128xf32, #tpu.memory_space<vmem>> -> memref<128xf32, #tpu.memory_space<vmem>>
      tpu.enqueue_dma source(%dma_start3A_232 : memref<128xf32, #tpu.memory_space<vmem>>) target(%dma_start3A_230 : memref<128xf32, #tpu.memory_space<hbm>>) target_semaphore(%run_scoped3A : memref<!tpu.dma_semaphore, #tpu.memory_space<semaphore_mem>>)
      %dma_wait3A_233 = arith.constant 0 : i32
      %dma_wait3A_234 = tpu.memref_slice %arg19[%dma_wait3A_233] : memref<128xf32, #tpu.memory_space<vmem>> -> memref<128xf32, #tpu.memory_space<vmem>>
      %dma_wait3A_235 = tpu.memref_slice %arg8[%add3A_198] : memref<20224xf32, #tpu.memory_space<hbm>> -> memref<128xf32, #tpu.memory_space<hbm>>
      %dma_wait3A_236 = tpu.memref_slice %arg8[%add3A_198] : memref<20224xf32, #tpu.memory_space<hbm>> -> memref<128xf32, #tpu.memory_space<hbm>>
      %dma_wait3A_237 = arith.constant 0 : i32
      %dma_wait3A_238 = tpu.memref_slice %arg19[%dma_wait3A_237] : memref<128xf32, #tpu.memory_space<vmem>> -> memref<128xf32, #tpu.memory_space<vmem>>
      tpu.wait_dma2 semaphore(%run_scoped3A : memref<!tpu.dma_semaphore, #tpu.memory_space<semaphore_mem>>) src(%dma_wait3A_238 : memref<128xf32, #tpu.memory_space<vmem>>) dst(%dma_wait3A_236 : memref<128xf32, #tpu.memory_space<hbm>>)
      tpu.yield
    }) : () -> ()
    %add3A_199 = arith.constant 128 : i32
    %add3A_200 = arith.addi %mul3A_0, %add3A_199 : i32
    "tpu.region"() ({
      %run_scoped3A = tpu.sem_alloc : memref<!tpu.dma_semaphore, #tpu.memory_space<semaphore_mem>>
      %dma_start3A_227 = arith.constant 0 : i32
      %dma_start3A_228 = tpu.memref_slice %arg19[%dma_start3A_227] : memref<128xf32, #tpu.memory_space<vmem>> -> memref<128xf32, #tpu.memory_space<vmem>>
      %dma_start3A_229 = tpu.memref_slice %arg10[%add3A_200] : memref<10112xf32, #tpu.memory_space<vmem_shared>> -> memref<128xf32, #tpu.memory_space<vmem_shared>>
      %dma_start3A_230 = arith.constant 0 : i32
      %dma_start3A_231 = tpu.memref_slice %arg19[%dma_start3A_230] : memref<128xf32, #tpu.memory_space<vmem>> -> memref<128xf32, #tpu.memory_space<vmem>>
      %dma_start3A_232 = tpu.memref_slice %arg10[%add3A_200] : memref<10112xf32, #tpu.memory_space<vmem_shared>> -> memref<128xf32, #tpu.memory_space<vmem_shared>>
      tpu.enqueue_dma source(%dma_start3A_232 : memref<128xf32, #tpu.memory_space<vmem_shared>>) target(%dma_start3A_231 : memref<128xf32, #tpu.memory_space<vmem>>) target_semaphore(%run_scoped3A : memref<!tpu.dma_semaphore, #tpu.memory_space<semaphore_mem>>)
      %dma_wait3A_233 = arith.constant 0 : i32
      %dma_wait3A_234 = tpu.memref_slice %arg19[%dma_wait3A_233] : memref<128xf32, #tpu.memory_space<vmem>> -> memref<128xf32, #tpu.memory_space<vmem>>
      %dma_wait3A_235 = tpu.memref_slice %arg10[%add3A_200] : memref<10112xf32, #tpu.memory_space<vmem_shared>> -> memref<128xf32, #tpu.memory_space<vmem_shared>>
      %dma_wait3A_236 = arith.constant 0 : i32
      %dma_wait3A_237 = tpu.memref_slice %arg19[%dma_wait3A_236] : memref<128xf32, #tpu.memory_space<vmem>> -> memref<128xf32, #tpu.memory_space<vmem>>
      %dma_wait3A_238 = tpu.memref_slice %arg10[%add3A_200] : memref<10112xf32, #tpu.memory_space<vmem_shared>> -> memref<128xf32, #tpu.memory_space<vmem_shared>>
      tpu.wait_dma2 semaphore(%run_scoped3A : memref<!tpu.dma_semaphore, #tpu.memory_space<semaphore_mem>>) src(%dma_wait3A_238 : memref<128xf32, #tpu.memory_space<vmem_shared>>) dst(%dma_wait3A_237 : memref<128xf32, #tpu.memory_space<vmem>>)
      tpu.yield
    }) : () -> ()
    %mul3A_201 = arith.constant 10112 : i32
    %mul3A_202 = arith.muli %arg0, %mul3A_201 : i32
    %add3A_203 = arith.addi %mul3A_202, %mul3A_0 : i32
    %add3A_204 = arith.constant 128 : i32
    %add3A_205 = arith.addi %add3A_203, %add3A_204 : i32
    "tpu.region"() ({
      %run_scoped3A = tpu.sem_alloc : memref<!tpu.dma_semaphore, #tpu.memory_space<semaphore_mem>>
      %dma_start3A_227 = arith.constant 0 : i32
      %dma_start3A_228 = tpu.memref_slice %arg19[%dma_start3A_227] : memref<128xf32, #tpu.memory_space<vmem>> -> memref<128xf32, #tpu.memory_space<vmem>>
      %dma_start3A_229 = tpu.memref_slice %arg8[%add3A_205] : memref<20224xf32, #tpu.memory_space<hbm>> -> memref<128xf32, #tpu.memory_space<hbm>>
      %dma_start3A_230 = tpu.memref_slice %arg8[%add3A_205] : memref<20224xf32, #tpu.memory_space<hbm>> -> memref<128xf32, #tpu.memory_space<hbm>>
      %dma_start3A_231 = arith.constant 0 : i32
      %dma_start3A_232 = tpu.memref_slice %arg19[%dma_start3A_231] : memref<128xf32, #tpu.memory_space<vmem>> -> memref<128xf32, #tpu.memory_space<vmem>>
      tpu.enqueue_dma source(%dma_start3A_232 : memref<128xf32, #tpu.memory_space<vmem>>) target(%dma_start3A_230 : memref<128xf32, #tpu.memory_space<hbm>>) target_semaphore(%run_scoped3A : memref<!tpu.dma_semaphore, #tpu.memory_space<semaphore_mem>>)
      %dma_wait3A_233 = arith.constant 0 : i32
      %dma_wait3A_234 = tpu.memref_slice %arg19[%dma_wait3A_233] : memref<128xf32, #tpu.memory_space<vmem>> -> memref<128xf32, #tpu.memory_space<vmem>>
      %dma_wait3A_235 = tpu.memref_slice %arg8[%add3A_205] : memref<20224xf32, #tpu.memory_space<hbm>> -> memref<128xf32, #tpu.memory_space<hbm>>
      %dma_wait3A_236 = tpu.memref_slice %arg8[%add3A_205] : memref<20224xf32, #tpu.memory_space<hbm>> -> memref<128xf32, #tpu.memory_space<hbm>>
      %dma_wait3A_237 = arith.constant 0 : i32
      %dma_wait3A_238 = tpu.memref_slice %arg19[%dma_wait3A_237] : memref<128xf32, #tpu.memory_space<vmem>> -> memref<128xf32, #tpu.memory_space<vmem>>
      tpu.wait_dma2 semaphore(%run_scoped3A : memref<!tpu.dma_semaphore, #tpu.memory_space<semaphore_mem>>) src(%dma_wait3A_238 : memref<128xf32, #tpu.memory_space<vmem>>) dst(%dma_wait3A_236 : memref<128xf32, #tpu.memory_space<hbm>>)
      tpu.yield
    }) : () -> ()
    %add3A_206 = arith.constant 256 : i32
    %add3A_207 = arith.addi %mul3A_0, %add3A_206 : i32
    "tpu.region"() ({
      %run_scoped3A = tpu.sem_alloc : memref<!tpu.dma_semaphore, #tpu.memory_space<semaphore_mem>>
      %dma_start3A_227 = arith.constant 0 : i32
      %dma_start3A_228 = tpu.memref_slice %arg19[%dma_start3A_227] : memref<128xf32, #tpu.memory_space<vmem>> -> memref<128xf32, #tpu.memory_space<vmem>>
      %dma_start3A_229 = tpu.memref_slice %arg10[%add3A_207] : memref<10112xf32, #tpu.memory_space<vmem_shared>> -> memref<128xf32, #tpu.memory_space<vmem_shared>>
      %dma_start3A_230 = arith.constant 0 : i32
      %dma_start3A_231 = tpu.memref_slice %arg19[%dma_start3A_230] : memref<128xf32, #tpu.memory_space<vmem>> -> memref<128xf32, #tpu.memory_space<vmem>>
      %dma_start3A_232 = tpu.memref_slice %arg10[%add3A_207] : memref<10112xf32, #tpu.memory_space<vmem_shared>> -> memref<128xf32, #tpu.memory_space<vmem_shared>>
      tpu.enqueue_dma source(%dma_start3A_232 : memref<128xf32, #tpu.memory_space<vmem_shared>>) target(%dma_start3A_231 : memref<128xf32, #tpu.memory_space<vmem>>) target_semaphore(%run_scoped3A : memref<!tpu.dma_semaphore, #tpu.memory_space<semaphore_mem>>)
      %dma_wait3A_233 = arith.constant 0 : i32
      %dma_wait3A_234 = tpu.memref_slice %arg19[%dma_wait3A_233] : memref<128xf32, #tpu.memory_space<vmem>> -> memref<128xf32, #tpu.memory_space<vmem>>
      %dma_wait3A_235 = tpu.memref_slice %arg10[%add3A_207] : memref<10112xf32, #tpu.memory_space<vmem_shared>> -> memref<128xf32, #tpu.memory_space<vmem_shared>>
      %dma_wait3A_236 = arith.constant 0 : i32
      %dma_wait3A_237 = tpu.memref_slice %arg19[%dma_wait3A_236] : memref<128xf32, #tpu.memory_space<vmem>> -> memref<128xf32, #tpu.memory_space<vmem>>
      %dma_wait3A_238 = tpu.memref_slice %arg10[%add3A_207] : memref<10112xf32, #tpu.memory_space<vmem_shared>> -> memref<128xf32, #tpu.memory_space<vmem_shared>>
      tpu.wait_dma2 semaphore(%run_scoped3A : memref<!tpu.dma_semaphore, #tpu.memory_space<semaphore_mem>>) src(%dma_wait3A_238 : memref<128xf32, #tpu.memory_space<vmem_shared>>) dst(%dma_wait3A_237 : memref<128xf32, #tpu.memory_space<vmem>>)
      tpu.yield
    }) : () -> ()
    %mul3A_208 = arith.constant 10112 : i32
    %mul3A_209 = arith.muli %arg0, %mul3A_208 : i32
    %add3A_210 = arith.addi %mul3A_209, %mul3A_0 : i32
    %add3A_211 = arith.constant 256 : i32
    %add3A_212 = arith.addi %add3A_210, %add3A_211 : i32
    "tpu.region"() ({
      %run_scoped3A = tpu.sem_alloc : memref<!tpu.dma_semaphore, #tpu.memory_space<semaphore_mem>>
      %dma_start3A_227 = arith.constant 0 : i32
      %dma_start3A_228 = tpu.memref_slice %arg19[%dma_start3A_227] : memref<128xf32, #tpu.memory_space<vmem>> -> memref<128xf32, #tpu.memory_space<vmem>>
      %dma_start3A_229 = tpu.memref_slice %arg8[%add3A_212] : memref<20224xf32, #tpu.memory_space<hbm>> -> memref<128xf32, #tpu.memory_space<hbm>>
      %dma_start3A_230 = tpu.memref_slice %arg8[%add3A_212] : memref<20224xf32, #tpu.memory_space<hbm>> -> memref<128xf32, #tpu.memory_space<hbm>>
      %dma_start3A_231 = arith.constant 0 : i32
      %dma_start3A_232 = tpu.memref_slice %arg19[%dma_start3A_231] : memref<128xf32, #tpu.memory_space<vmem>> -> memref<128xf32, #tpu.memory_space<vmem>>
      tpu.enqueue_dma source(%dma_start3A_232 : memref<128xf32, #tpu.memory_space<vmem>>) target(%dma_start3A_230 : memref<128xf32, #tpu.memory_space<hbm>>) target_semaphore(%run_scoped3A : memref<!tpu.dma_semaphore, #tpu.memory_space<semaphore_mem>>)
      %dma_wait3A_233 = arith.constant 0 : i32
      %dma_wait3A_234 = tpu.memref_slice %arg19[%dma_wait3A_233] : memref<128xf32, #tpu.memory_space<vmem>> -> memref<128xf32, #tpu.memory_space<vmem>>
      %dma_wait3A_235 = tpu.memref_slice %arg8[%add3A_212] : memref<20224xf32, #tpu.memory_space<hbm>> -> memref<128xf32, #tpu.memory_space<hbm>>
      %dma_wait3A_236 = tpu.memref_slice %arg8[%add3A_212] : memref<20224xf32, #tpu.memory_space<hbm>> -> memref<128xf32, #tpu.memory_space<hbm>>
      %dma_wait3A_237 = arith.constant 0 : i32
      %dma_wait3A_238 = tpu.memref_slice %arg19[%dma_wait3A_237] : memref<128xf32, #tpu.memory_space<vmem>> -> memref<128xf32, #tpu.memory_space<vmem>>
      tpu.wait_dma2 semaphore(%run_scoped3A : memref<!tpu.dma_semaphore, #tpu.memory_space<semaphore_mem>>) src(%dma_wait3A_238 : memref<128xf32, #tpu.memory_space<vmem>>) dst(%dma_wait3A_236 : memref<128xf32, #tpu.memory_space<hbm>>)
      tpu.yield
    }) : () -> ()
    %add3A_213 = arith.constant 384 : i32
    %add3A_214 = arith.addi %mul3A_0, %add3A_213 : i32
    "tpu.region"() ({
      %run_scoped3A = tpu.sem_alloc : memref<!tpu.dma_semaphore, #tpu.memory_space<semaphore_mem>>
      %dma_start3A_227 = arith.constant 0 : i32
      %dma_start3A_228 = tpu.memref_slice %arg19[%dma_start3A_227] : memref<128xf32, #tpu.memory_space<vmem>> -> memref<128xf32, #tpu.memory_space<vmem>>
      %dma_start3A_229 = tpu.memref_slice %arg10[%add3A_214] : memref<10112xf32, #tpu.memory_space<vmem_shared>> -> memref<128xf32, #tpu.memory_space<vmem_shared>>
      %dma_start3A_230 = arith.constant 0 : i32
      %dma_start3A_231 = tpu.memref_slice %arg19[%dma_start3A_230] : memref<128xf32, #tpu.memory_space<vmem>> -> memref<128xf32, #tpu.memory_space<vmem>>
      %dma_start3A_232 = tpu.memref_slice %arg10[%add3A_214] : memref<10112xf32, #tpu.memory_space<vmem_shared>> -> memref<128xf32, #tpu.memory_space<vmem_shared>>
      tpu.enqueue_dma source(%dma_start3A_232 : memref<128xf32, #tpu.memory_space<vmem_shared>>) target(%dma_start3A_231 : memref<128xf32, #tpu.memory_space<vmem>>) target_semaphore(%run_scoped3A : memref<!tpu.dma_semaphore, #tpu.memory_space<semaphore_mem>>)
      %dma_wait3A_233 = arith.constant 0 : i32
      %dma_wait3A_234 = tpu.memref_slice %arg19[%dma_wait3A_233] : memref<128xf32, #tpu.memory_space<vmem>> -> memref<128xf32, #tpu.memory_space<vmem>>
      %dma_wait3A_235 = tpu.memref_slice %arg10[%add3A_214] : memref<10112xf32, #tpu.memory_space<vmem_shared>> -> memref<128xf32, #tpu.memory_space<vmem_shared>>
      %dma_wait3A_236 = arith.constant 0 : i32
      %dma_wait3A_237 = tpu.memref_slice %arg19[%dma_wait3A_236] : memref<128xf32, #tpu.memory_space<vmem>> -> memref<128xf32, #tpu.memory_space<vmem>>
      %dma_wait3A_238 = tpu.memref_slice %arg10[%add3A_214] : memref<10112xf32, #tpu.memory_space<vmem_shared>> -> memref<128xf32, #tpu.memory_space<vmem_shared>>
      tpu.wait_dma2 semaphore(%run_scoped3A : memref<!tpu.dma_semaphore, #tpu.memory_space<semaphore_mem>>) src(%dma_wait3A_238 : memref<128xf32, #tpu.memory_space<vmem_shared>>) dst(%dma_wait3A_237 : memref<128xf32, #tpu.memory_space<vmem>>)
      tpu.yield
    }) : () -> ()
    %mul3A_215 = arith.constant 10112 : i32
    %mul3A_216 = arith.muli %arg0, %mul3A_215 : i32
    %add3A_217 = arith.addi %mul3A_216, %mul3A_0 : i32
    %add3A_218 = arith.constant 384 : i32
    %add3A_219 = arith.addi %add3A_217, %add3A_218 : i32
    "tpu.region"() ({
      %run_scoped3A = tpu.sem_alloc : memref<!tpu.dma_semaphore, #tpu.memory_space<semaphore_mem>>
      %dma_start3A_227 = arith.constant 0 : i32
      %dma_start3A_228 = tpu.memref_slice %arg19[%dma_start3A_227] : memref<128xf32, #tpu.memory_space<vmem>> -> memref<128xf32, #tpu.memory_space<vmem>>
      %dma_start3A_229 = tpu.memref_slice %arg8[%add3A_219] : memref<20224xf32, #tpu.memory_space<hbm>> -> memref<128xf32, #tpu.memory_space<hbm>>
      %dma_start3A_230 = tpu.memref_slice %arg8[%add3A_219] : memref<20224xf32, #tpu.memory_space<hbm>> -> memref<128xf32, #tpu.memory_space<hbm>>
      %dma_start3A_231 = arith.constant 0 : i32
      %dma_start3A_232 = tpu.memref_slice %arg19[%dma_start3A_231] : memref<128xf32, #tpu.memory_space<vmem>> -> memref<128xf32, #tpu.memory_space<vmem>>
      tpu.enqueue_dma source(%dma_start3A_232 : memref<128xf32, #tpu.memory_space<vmem>>) target(%dma_start3A_230 : memref<128xf32, #tpu.memory_space<hbm>>) target_semaphore(%run_scoped3A : memref<!tpu.dma_semaphore, #tpu.memory_space<semaphore_mem>>)
      %dma_wait3A_233 = arith.constant 0 : i32
      %dma_wait3A_234 = tpu.memref_slice %arg19[%dma_wait3A_233] : memref<128xf32, #tpu.memory_space<vmem>> -> memref<128xf32, #tpu.memory_space<vmem>>
      %dma_wait3A_235 = tpu.memref_slice %arg8[%add3A_219] : memref<20224xf32, #tpu.memory_space<hbm>> -> memref<128xf32, #tpu.memory_space<hbm>>
      %dma_wait3A_236 = tpu.memref_slice %arg8[%add3A_219] : memref<20224xf32, #tpu.memory_space<hbm>> -> memref<128xf32, #tpu.memory_space<hbm>>
      %dma_wait3A_237 = arith.constant 0 : i32
      %dma_wait3A_238 = tpu.memref_slice %arg19[%dma_wait3A_237] : memref<128xf32, #tpu.memory_space<vmem>> -> memref<128xf32, #tpu.memory_space<vmem>>
      tpu.wait_dma2 semaphore(%run_scoped3A : memref<!tpu.dma_semaphore, #tpu.memory_space<semaphore_mem>>) src(%dma_wait3A_238 : memref<128xf32, #tpu.memory_space<vmem>>) dst(%dma_wait3A_236 : memref<128xf32, #tpu.memory_space<hbm>>)
      tpu.yield
    }) : () -> ()
    %add3A_220 = arith.constant 512 : i32
    %add3A_221 = arith.addi %mul3A_0, %add3A_220 : i32
    "tpu.region"() ({
      %run_scoped3A = tpu.sem_alloc : memref<!tpu.dma_semaphore, #tpu.memory_space<semaphore_mem>>
      %dma_start3A_227 = arith.constant 0 : i32
      %dma_start3A_228 = tpu.memref_slice %arg19[%dma_start3A_227] : memref<128xf32, #tpu.memory_space<vmem>> -> memref<120xf32, #tpu.memory_space<vmem>>
      %dma_start3A_229 = tpu.memref_slice %arg10[%add3A_221] : memref<10112xf32, #tpu.memory_space<vmem_shared>> -> memref<120xf32, #tpu.memory_space<vmem_shared>>
      %dma_start3A_230 = arith.constant 0 : i32
      %dma_start3A_231 = tpu.memref_slice %arg19[%dma_start3A_230] : memref<128xf32, #tpu.memory_space<vmem>> -> memref<120xf32, #tpu.memory_space<vmem>>
      %dma_start3A_232 = tpu.memref_slice %arg10[%add3A_221] : memref<10112xf32, #tpu.memory_space<vmem_shared>> -> memref<120xf32, #tpu.memory_space<vmem_shared>>
      tpu.enqueue_dma source(%dma_start3A_232 : memref<120xf32, #tpu.memory_space<vmem_shared>>) target(%dma_start3A_231 : memref<120xf32, #tpu.memory_space<vmem>>) target_semaphore(%run_scoped3A : memref<!tpu.dma_semaphore, #tpu.memory_space<semaphore_mem>>)
      %dma_wait3A_233 = arith.constant 0 : i32
      %dma_wait3A_234 = tpu.memref_slice %arg19[%dma_wait3A_233] : memref<128xf32, #tpu.memory_space<vmem>> -> memref<120xf32, #tpu.memory_space<vmem>>
      %dma_wait3A_235 = tpu.memref_slice %arg10[%add3A_221] : memref<10112xf32, #tpu.memory_space<vmem_shared>> -> memref<120xf32, #tpu.memory_space<vmem_shared>>
      %dma_wait3A_236 = arith.constant 0 : i32
      %dma_wait3A_237 = tpu.memref_slice %arg19[%dma_wait3A_236] : memref<128xf32, #tpu.memory_space<vmem>> -> memref<120xf32, #tpu.memory_space<vmem>>
      %dma_wait3A_238 = tpu.memref_slice %arg10[%add3A_221] : memref<10112xf32, #tpu.memory_space<vmem_shared>> -> memref<120xf32, #tpu.memory_space<vmem_shared>>
      tpu.wait_dma2 semaphore(%run_scoped3A : memref<!tpu.dma_semaphore, #tpu.memory_space<semaphore_mem>>) src(%dma_wait3A_238 : memref<120xf32, #tpu.memory_space<vmem_shared>>) dst(%dma_wait3A_237 : memref<120xf32, #tpu.memory_space<vmem>>)
      tpu.yield
    }) : () -> ()
    %mul3A_222 = arith.constant 10112 : i32
    %mul3A_223 = arith.muli %arg0, %mul3A_222 : i32
    %add3A_224 = arith.addi %mul3A_223, %mul3A_0 : i32
    %add3A_225 = arith.constant 512 : i32
    %add3A_226 = arith.addi %add3A_224, %add3A_225 : i32
    "tpu.region"() ({
      %run_scoped3A = tpu.sem_alloc : memref<!tpu.dma_semaphore, #tpu.memory_space<semaphore_mem>>
      %dma_start3A_227 = arith.constant 0 : i32
      %dma_start3A_228 = tpu.memref_slice %arg19[%dma_start3A_227] : memref<128xf32, #tpu.memory_space<vmem>> -> memref<120xf32, #tpu.memory_space<vmem>>
      %dma_start3A_229 = tpu.memref_slice %arg8[%add3A_226] : memref<20224xf32, #tpu.memory_space<hbm>> -> memref<120xf32, #tpu.memory_space<hbm>>
      %dma_start3A_230 = tpu.memref_slice %arg8[%add3A_226] : memref<20224xf32, #tpu.memory_space<hbm>> -> memref<120xf32, #tpu.memory_space<hbm>>
      %dma_start3A_231 = arith.constant 0 : i32
      %dma_start3A_232 = tpu.memref_slice %arg19[%dma_start3A_231] : memref<128xf32, #tpu.memory_space<vmem>> -> memref<120xf32, #tpu.memory_space<vmem>>
      tpu.enqueue_dma source(%dma_start3A_232 : memref<120xf32, #tpu.memory_space<vmem>>) target(%dma_start3A_230 : memref<120xf32, #tpu.memory_space<hbm>>) target_semaphore(%run_scoped3A : memref<!tpu.dma_semaphore, #tpu.memory_space<semaphore_mem>>)
      %dma_wait3A_233 = arith.constant 0 : i32
      %dma_wait3A_234 = tpu.memref_slice %arg19[%dma_wait3A_233] : memref<128xf32, #tpu.memory_space<vmem>> -> memref<120xf32, #tpu.memory_space<vmem>>
      %dma_wait3A_235 = tpu.memref_slice %arg8[%add3A_226] : memref<20224xf32, #tpu.memory_space<hbm>> -> memref<120xf32, #tpu.memory_space<hbm>>
      %dma_wait3A_236 = tpu.memref_slice %arg8[%add3A_226] : memref<20224xf32, #tpu.memory_space<hbm>> -> memref<120xf32, #tpu.memory_space<hbm>>
      %dma_wait3A_237 = arith.constant 0 : i32
      %dma_wait3A_238 = tpu.memref_slice %arg19[%dma_wait3A_237] : memref<128xf32, #tpu.memory_space<vmem>> -> memref<120xf32, #tpu.memory_space<vmem>>
      tpu.wait_dma2 semaphore(%run_scoped3A : memref<!tpu.dma_semaphore, #tpu.memory_space<semaphore_mem>>) src(%dma_wait3A_238 : memref<120xf32, #tpu.memory_space<vmem>>) dst(%dma_wait3A_236 : memref<120xf32, #tpu.memory_space<hbm>>)
      tpu.yield
    }) : () -> ()
    return
  }
}

module attributes {stable_mosaic.version = 14 : i64} {
  func.func @_norm_body(%arg0: i32, %arg1: memref<1x1000x128xf32, #tpu.memory_space<vmem>>, %arg2: memref<1x1000x128xf32, #tpu.memory_space<vmem>>, %arg3: memref<1000x128xf32, #tpu.memory_space<vmem>>, %arg4: memref<1000x1xf32, #tpu.memory_space<vmem>>, %arg5: memref<1000x128xf32, #tpu.memory_space<vmem>>) attributes {dimension_semantics = [#tpu.dimension_semantics<arbitrary>], iteration_bounds = array<i64: 10>, scalar_prefetch = 0 : i64, scratch_operands = 0 : i64, tpu.core_type = #tpu.core_type<tc>, window_params = [{transform_indices = @transform_0, window_bounds = array<i64: 1, 1000, 128>}, {transform_indices = @transform_1, window_bounds = array<i64: 1, 1000, 128>}, {transform_indices = @transform_2, window_bounds = array<i64: 1000, 128>}, {transform_indices = @transform_3, window_bounds = array<i64: 1000, 1>}, {transform_indices = @transform_4, window_bounds = array<i64: 1000, 128>}]} {
    %get3A = arith.constant 0 : index
    %get3A_0 = arith.constant 0 : index
    %get3A_1 = arith.constant 0 : index
    %get3A_2 = vector.load %arg1[%get3A, %get3A_0, %get3A_1] : memref<1x1000x128xf32, #tpu.memory_space<vmem>>, vector<1x1000x128xf32>
    %get3A_3 = vector.shape_cast %get3A_2 : vector<1x1000x128xf32> to vector<1000x128xf32>
    %get3A_4 = arith.constant 0 : index
    %get3A_5 = arith.constant 0 : index
    %get3A_6 = arith.constant 0 : index
    %get3A_7 = vector.load %arg2[%get3A_4, %get3A_5, %get3A_6] : memref<1x1000x128xf32, #tpu.memory_space<vmem>>, vector<1x1000x128xf32>
    %get3A_8 = vector.shape_cast %get3A_7 : vector<1x1000x128xf32> to vector<1000x128xf32>
    %add3A = arith.addf %get3A_3, %get3A_8 : vector<1000x128xf32>
    %get3A_9 = arith.constant 0 : index
    %get3A_10 = arith.constant 0 : index
    %get3A_11 = vector.load %arg3[%get3A_9, %get3A_10] : memref<1000x128xf32, #tpu.memory_space<vmem>>, vector<1000x128xf32>
    %add3A_12 = arith.addf %add3A, %get3A_11 : vector<1000x128xf32>
    %get3A_13 = arith.constant 0 : index
    %get3A_14 = arith.constant 0 : index
    %get3A_15 = vector.load %arg4[%get3A_13, %get3A_14] : memref<1000x1xf32, #tpu.memory_space<vmem>>, vector<1000x1xf32>
    %div3A = vector.broadcast %get3A_15 : vector<1000x1xf32> to vector<1000x128xf32>
    %div3A_16 = arith.divf %add3A_12, %div3A : vector<1000x128xf32>
    %swap3A = arith.constant 0 : index
    %swap3A_17 = arith.constant 0 : index
    %swap3A_18 = vector.load %arg5[%swap3A, %swap3A_17] : memref<1000x128xf32, #tpu.memory_space<vmem>>, vector<1000x128xf32>
    tpu.vector_store %arg5[%swap3A, %swap3A_17], %div3A_16 {strides = array<i32>} : memref<1000x128xf32, #tpu.memory_space<vmem>>, vector<1000x128xf32>,
    return
  }
  func.func @transform_0(%arg0: i32) -> (i32, i32, i32) {
    %c0_i32 = arith.constant 0 : i32
    %c0_i32_0 = arith.constant 0 : i32
    %c0_i32_1 = arith.constant 0 : i32
    return %c0_i32, %arg0, %c0_i32_0 : i32, i32, i32
  }
  func.func @transform_1(%arg0: i32) -> (i32, i32, i32) {
    %c1_i32 = arith.constant 1 : i32
    %c0_i32 = arith.constant 0 : i32
    %c0_i32_0 = arith.constant 0 : i32
    return %c1_i32, %arg0, %c0_i32 : i32, i32, i32
  }
  func.func @transform_2(%arg0: i32) -> (i32, i32) {
    %c0_i32 = arith.constant 0 : i32
    %c0_i32_0 = arith.constant 0 : i32
    return %arg0, %c0_i32 : i32, i32
  }
  func.func @transform_3(%arg0: i32) -> (i32, i32) {
    %c0_i32 = arith.constant 0 : i32
    %c0_i32_0 = arith.constant 0 : i32
    return %arg0, %c0_i32 : i32, i32
  }
  func.func @transform_4(%arg0: i32) -> (i32, i32) {
    %c0_i32 = arith.constant 0 : i32
    %c0_i32_0 = arith.constant 0 : i32
    return %arg0, %c0_i32 : i32, i32
  }
}

module attributes {stable_mosaic.version = 14 : i64} {
  func.func @_dense_body(%arg0: memref<10000x128xf32, #tpu.memory_space<vmem>>, %arg1: memref<128x128xf32, #tpu.memory_space<vmem>>, %arg2: memref<1x128xf32, #tpu.memory_space<vmem>>, %arg3: memref<128x1xf32, #tpu.memory_space<vmem>>, %arg4: memref<10000x128xf32, #tpu.memory_space<vmem>>, %arg5: memref<10000xf32, #tpu.memory_space<vmem>>) attributes {dimension_semantics = [], scalar_prefetch = 0 : i64, scratch_operands = 0 : i64, tpu.core_type = #tpu.core_type<tc>} {
    %get3A = arith.constant 0 : index
    %get3A_0 = arith.constant 0 : index
    %get3A_1 = vector.load %arg0[%get3A, %get3A_0] : memref<10000x128xf32, #tpu.memory_space<vmem>>, vector<10000x128xf32>
    %get3A_2 = arith.constant 0 : index
    %get3A_3 = arith.constant 0 : index
    %get3A_4 = vector.load %arg1[%get3A_2, %get3A_3] : memref<128x128xf32, #tpu.memory_space<vmem>>, vector<128x128xf32>
    %dot_general3A = arith.constant dense<0.000000e+00> : vector<10000x128xf32>
    %dot_general3A_5 = tpu.matmul %get3A_1, %get3A_4, %dot_general3A {dimension_numbers = #tpu.dot_dimension_numbers<[1], [0], [0], [1], [0, 0, 1, 1], [], []>, transpose_lhs_hint = false} : vector<10000x128xf32>, vector<128x128xf32>, vector<10000x128xf32> -> vector<10000x128xf32>
    %get3A_6 = arith.constant 0 : index
    %get3A_7 = arith.constant 0 : index
    %get3A_8 = vector.load %arg2[%get3A_6, %get3A_7] : memref<1x128xf32, #tpu.memory_space<vmem>>, vector<1x128xf32>
    %add3A = vector.broadcast %get3A_8 : vector<1x128xf32> to vector<10000x128xf32>
    %add3A_9 = arith.addf %dot_general3A_5, %add3A : vector<10000x128xf32>
    %gt3A = arith.constant 0.000000e+00 : f32
    %gt3A_10 = vector.broadcast %gt3A : f32 to vector<10000x128xf32>
    %gt3A_11 = arith.cmpf ogt, %add3A_9, %gt3A_10 : vector<10000x128xf32>
    %mul3A = arith.constant 2.000000e-01 : f32
    %mul3A_12 = vector.broadcast %mul3A : f32 to vector<10000x128xf32>
    %mul3A_13 = arith.mulf %mul3A_12, %add3A_9 : vector<10000x128xf32>
    %select_n3A = arith.select %gt3A_11, %add3A_9, %mul3A_13 : vector<10000x128xi1>, vector<10000x128xf32>
    %get3A_14 = arith.constant 0 : index
    %get3A_15 = arith.constant 0 : index
    %get3A_16 = vector.load %arg3[%get3A_14, %get3A_15] : memref<128x1xf32, #tpu.memory_space<vmem>>, vector<128x1xf32>
    %dot_general3A_17 = arith.constant dense<0.000000e+00> : vector<10000x1xf32>
    %dot_general3A_18 = tpu.matmul %select_n3A, %get3A_16, %dot_general3A_17 {dimension_numbers = #tpu.dot_dimension_numbers<[1], [0], [0], [1], [0, 0, 1, 1], [], []>, transpose_lhs_hint = false} : vector<10000x128xf32>, vector<128x1xf32>, vector<10000x1xf32> -> vector<10000x1xf32>
    %reduce_max3A = vector.shape_cast %dot_general3A_18 : vector<10000x1xf32> to vector<1x10000x1xf32>
    %reduce_max3A_19 = arith.constant dense<0xFF800000> : vector<1xf32>
    %reduce_max3A_20 = vector.multi_reduction <maximumf>, %reduce_max3A, %reduce_max3A_19 [1, 2] : vector<1x10000x1xf32> to vector<1xf32>
    %reduce_max3A_21 = vector.shape_cast %reduce_max3A_20 : vector<1xf32> to vector<1x1x1xf32>
    %reduce_max3A_22 = vector.extract %reduce_max3A_21[0, 0, 0] : f32 from vector<1x1x1xf32>
    %sub3A = vector.broadcast %reduce_max3A_22 : f32 to vector<10000x1xf32>
    %sub3A_23 = arith.subf %dot_general3A_18, %sub3A : vector<10000x1xf32>
    %exp3A = math.exp %sub3A_23 : vector<10000x1xf32>
    %mul3A_24 = vector.broadcast %exp3A : vector<10000x1xf32> to vector<10000x128xf32>
    %mul3A_25 = arith.mulf %add3A_9, %mul3A_24 : vector<10000x128xf32>
    %swap3A = arith.constant 0 : index
    %swap3A_26 = arith.constant 0 : index
    %swap3A_27 = vector.load %arg4[%swap3A, %swap3A_26] : memref<10000x128xf32, #tpu.memory_space<vmem>>, vector<10000x128xf32>
    tpu.vector_store %arg4[%swap3A, %swap3A_26], %mul3A_25 {strides = array<i32>} : memref<10000x128xf32, #tpu.memory_space<vmem>>, vector<10000x128xf32>,
    %reshape3A = vector.shape_cast %exp3A : vector<10000x1xf32> to vector<10000xf32>
    %swap3A_28 = arith.constant 0 : index
    %swap3A_29 = vector.load %arg5[%swap3A_28] : memref<10000xf32, #tpu.memory_space<vmem>>, vector<10000xf32>
    tpu.vector_store %arg5[%swap3A_28], %reshape3A {strides = array<i32>} : memref<10000xf32, #tpu.memory_space<vmem>>, vector<10000xf32>,
    return
  }
}

</mosaic_0001>

<sc_bundles>
// kernel: kernel.5.cloned.1.call-start
scs
__scs_entry_jumppad:
0x0: {  	(pc) =	sbr.rel $0x88, $3  }
0x1: {  	(tag) =	ssettag $0x0;
	lr =	simm.s32 $0x1  }
0x2: {  	[smem:$0x3F9C] =	sst lr;
	_ =	strace $0xD0000000  }
0x3: {  	_ = 	snop  }
0x4: {  	_ = 	snop  }
0x5: {  	_ = 	snop  }
0x6: {  	_ = 	snop  }
0x7: {  	_ = 	snop  }
__scs_overlays_trampoline_lowered:
0x8: {  	[smem:$0x3FAB] =	sst s0  }
0x9: {  	[smem:$0x3FAC] =	sst s1  }
0xa: {  	[smem:$0x3FAD] =	sst s2  }
0xb: {  	[smem:$0x3FAE] =	sst s3  }
0xc: {  	[smem:$0x3FAF] =	sst s4  }
0xd: {  	[smem:$0x3FB0] =	sst s5  }
0xe: {  	[smem:$0x3FB1] =	sst s6  }
0xf: {  	[smem:$0x3FB2] =	sst s7  }
0x10: {  	[smem:$0x3FB3] =	sst s8  }
0x11: {  	[smem:$0x3FB4] =	sst s9;
	s0 =	simm.s32 @!p0 $0x0  }
0x12: {  	s1 =	sld [smem:$0x3F9A];
	s0 =	simm.s32 @p0 $0x1  }
0x13: {  	[smem:$0x3FB5] =	sst s0;
	s0 =	simm.s32 @!p1 $0x0  }
0x14: {  	s2 =	sld [smem:$0x3F99];
	s0 =	simm.s32 @p1 $0x1  }
0x15: {  	[smem:$0x3FB6] =	sst s0;
	s0 =	simm.s32 @!p2 $0x0  }
0x16: {  	s3 =	sld [smem:$0x3FDB];
	s0 =	simm.s32 @p2 $0x1  }
0x17: {  	s4 =	simm.s32 $0x1BF5;
	[smem:$0x3FB8] =	sst s0  }
0x18: {  	s0 =	sld [smem:$0x3F9B];
	_ =	swait.ge [sflag:s4], $0x0  }
0x19: {  	s7 =	sld [smem:$0x3F9C]  }
0x1a: {  	s8 =	sadd.s32 $0xFFFFE003, lr  }
0x1b: {  	s9 =	sadd.s32 $0xFFFFFEF7, lr;
	s5 =	simm.s32 $0xFFFFFFFF;
	p2 =	slt.u32 s8, $0xFFFFF086  }
0x1c: {  	p1 =	slt.u32 s9, $0xF7A;
	s5 =	simm.s32 @!p2 $0x0  }
0x1d: {  	s5 =	simm.s32 @p1 $0x1;
	p0 =	seq.s32 s7, s2  }
0x1e: {  	s7 =	smul.u32 @!p0 $0xF7A, s2;
	p2 =	seq.s32 @!p0 s5, $0x0  }
0x1f: {  	s9 =	smul.u32 $0xF7A, s1;
	s8 =	simm.s32 @!p0 $0x1BF5;
	p2 =	por !p2, p0  }
0x20: {  	[sflag:s8] =	ssyncset.s32 @!p0 $0xFFFFF086;
	s6 =	sadd.s32 @!p0 s3, s7;
	s7 =	simm.s32 @!p0 $0x108  }
0x21: {  	s3 =	sadd.s32 s3, s9;
	s6 =	sadd.s32 @!p0 $0x88, s6;
	s7 =	simm.s32 @p2 $0x1082  }
0x22: {  	[simem:s7], [sflag:s8] =	dma.local @!p0 [hbm:s6], $0xF7A  }
0x23: {  	s9 =	sor.u32 $0xD0000000, s2;
	s6 =	simm.s32 $0x108;
	_ =	swait.ge @!p0 [sflag:s8], $0x0  }
0x24: {  	s3 =	sadd.s32 $0x88, s3;
	s6 =	simm.s32 @!p1 $0x1082;
	[sflag:s4] =	ssyncset.s32 $0xFFFFF086  }
0x25: {  	[simem:s6], [sflag:s4] =	dma.local [hbm:s3], $0xF7A  }
0x26: {  	[smem:$0x3F9C] =	sst s1;
	(tag) =	ssettag s2;
	_ =	strace s9  }
0x27: {  	s1 =	sld [smem:$0x3FAC]  }
0x28: {  	s2 =	sld [smem:$0x3FAD]  }
0x29: {  	s4 =	sld [smem:$0x3FAF]  }
0x2a: {  	p0 =	seq.s32 s5, $0x0;
	s5 =	sld [smem:$0x3FB0]  }
0x2b: {  	s6 =	sld [smem:$0x3FB1]  }
0x2c: {  	s7 =	sld [smem:$0x3FB2]  }
0x2d: {  	s3 =	simm.s32 $0x108;
	s8 =	sld [smem:$0x3FB3]  }
0x2e: {  	s3 =	simm.s32 @!p0 $0x1082;
	s9 =	sld [smem:$0x3FB4]  }
0x2f: {  	lr =	sadd.s32 s0, s3;
	s0 =	sld [smem:$0x3FAB]  }
0x30: {  	s3 =	sld [smem:$0x3FAE]  }
0x31: {  	[smem:$0x3FB7] =	sst s10  }
0x32: {  	s10 =	sld [smem:$0x3FB5];
	_ =	sdelay $0x3  }
0x33: {  	p0 =	seq.s32 s10, $0x1;
	s10 =	sld [smem:$0x3FB7];
	_ =	sdelay $0x3  }
0x34: {  	[smem:$0x3FB7] =	sst s10  }
0x35: {  	s10 =	sld [smem:$0x3FB6];
	_ =	sdelay $0x3  }
0x36: {  	p1 =	seq.s32 s10, $0x1;
	s10 =	sld [smem:$0x3FB7];
	_ =	sdelay $0x3  }
0x37: {  	[smem:$0x3FB7] =	sst s10  }
0x38: {  	s10 =	sld [smem:$0x3FB8]  }
0x39: {  	_ = 	snop;
	(pc) =	sbr.ind lr, $3  }
0x3a: {  	_ = 	snop  }
0x3b: {  	_ = 	snop  }
0x3c: {  	p2 =	seq.s32 s10, $0x1;
	s10 =	sld [smem:$0x3FB7]  }
0x3d: {  	_ =	shalt  }
0x3e: {  	_ =	shalt  }
0x3f: {  	_ =	shalt  }
0x40: {  	_ =	shalt  }
0x41: {  	_ =	shalt  }
0x42: {  	_ =	shalt  }
0x43: {  	_ =	shalt  }
0x44: {  	_ =	shalt  }
0x45: {  	_ =	shalt  }
0x46: {  	_ =	shalt  }
0x47: {  	_ =	shalt  }
0x48: {  	_ =	shalt  }
0x49: {  	_ =	shalt  }
0x4a: {  	_ =	shalt  }
0x4b: {  	_ =	shalt  }
0x4c: {  	_ =	shalt  }
0x4d: {  	_ =	shalt  }
0x4e: {  	_ =	shalt  }
0x4f: {  	_ =	shalt  }
0x50: {  	_ =	shalt  }
0x51: {  	_ =	shalt  }
0x52: {  	_ =	shalt  }
0x53: {  	_ =	shalt  }
0x54: {  	_ =	shalt  }
0x55: {  	_ =	shalt  }
0x56: {  	_ =	shalt  }
0x57: {  	_ =	shalt  }
0x58: {  	_ =	shalt  }
0x59: {  	_ =	shalt  }
0x5a: {  	_ =	shalt  }
0x5b: {  	_ =	shalt  }
0x5c: {  	_ =	shalt  }
0x5d: {  	_ =	shalt  }
0x5e: {  	_ =	shalt  }
0x5f: {  	_ =	shalt  }
0x60: {  	_ =	shalt  }
0x61: {  	_ =	shalt  }
0x62: {  	_ =	shalt  }
0x63: {  	_ =	shalt  }
0x64: {  	_ =	shalt  }
0x65: {  	_ =	shalt  }
0x66: {  	_ =	shalt  }
0x67: {  	_ =	shalt  }
0x68: {  	_ =	shalt  }
0x69: {  	_ =	shalt  }
0x6a: {  	_ =	shalt  }
0x6b: {  	_ =	shalt  }
0x6c: {  	_ =	shalt  }
0x6d: {  	_ =	shalt  }
0x6e: {  	_ =	shalt  }
0x6f: {  	_ =	shalt  }
0x70: {  	_ =	shalt  }
0x71: {  	_ =	shalt  }
0x72: {  	_ =	shalt  }
0x73: {  	_ =	shalt  }
0x74: {  	_ =	shalt  }
0x75: {  	_ =	shalt  }
0x76: {  	_ =	shalt  }
0x77: {  	_ =	shalt  }
0x78: {  	_ =	shalt  }
0x79: {  	_ =	shalt  }
0x7a: {  	_ =	shalt  }
0x7b: {  	_ =	shalt  }
0x7c: {  	_ =	shalt  }
0x7d: {  	_ =	shalt  }
0x7e: {  	_ =	shalt  }
0x7f: {  	_ =	shalt  }
0x80: {  	_ =	shalt  }
0x81: {  	_ =	shalt  }
0x82: {  	_ =	shalt  }
0x83: {  	_ =	shalt  }
0x84: {  	_ =	shalt  }
0x85: {  	_ =	shalt  }
0x86: {  	_ =	shalt  }
0x87: {  	_ =	shalt  }
.Lfunc_end0:
.L_simem_size_0:
called_computation_lowered:
.L_overlay_start_0:
0x88: {  	s2 =	sld [smem:$0x3FD9]  }
0x89: {  	s3 =	sld [smem:$0x3FFE];
	_ =	sdelay $0x1  }
0x8a: {  	s1 =	srdreg.scid  }
0x8b: {  	s0 =	sand.u32 $0x1, s1  }
0x8c: {  	s17 =	sshll.u32 s0, $0xA;
	s2 =	sadd.s32 s3, s2  }
0x8d: {  	s2 =	sadd.s32 s2, s17  }
0x8e: {  	[smem:$0x3FC3] =	sst s2  }
0x8f: {  	_ = 	snop  }
0x90: {  	s2 =	sld [smem:$0x3FC8]  }
0x91: {  	s18 =	sld [smem:$0x3FD0];
	(tm) =	ssettm $0x1  }
0x92: {  	s4 =	sld [smem:$0x3FFB];
	_ =	sdelay $0x3  }
0x93: {  	_ =	strace s4  }
0x94: {  	s4 =	sld [smem:$0x3FFC];
	_ =	sdelay $0x3  }
0x95: {  	_ =	strace s4  }
0x96: {  	s4 =	sld [smem:$0x3FFD];
	_ =	sdelay $0x3  }
0x97: {  	_ =	strace s4  }
0x98: {  	_ =	strace $0x8FFFFFFF  }
0x99: {  	s19 =	sld [smem:$0x3FDB];
	_ =	sdelay $0x1  }
0x9a: {  	s5 =	simm.s32 $_scs_section_size  }
0x9b: {  	s6 =	simm.s32 $_size__tile_overlayer_lowered;
	s7 =	simm.s32 $_tile_overlayer_lowered  }
0x9c: {  	s22 =	simm.s32 $0x1BFF;
	s21 =	sshll.u32 s7, $0x1;
	s4 =	sadd.s32 s5, s19  }
0x9d: {  	s8 =	simm.s32 $0x0;
	s20 =	sshll.u32 s6, $0x1;
	s6 =	sadd.s32 s21, s4  }
0x9e: {  	[timem:s8], [sflag:s22] =	dma.local [hbm:s6], s20  }
0x9f: {  	_ =	swait.ge [sflag:s22], s20  }
0xa0: {  	s5 =	ssub.s32 $0x0, s20;
	[sflag:s22] =	ssyncset.done $0x0  }
0xa1: {  	[sflag:s22] =	ssyncadd.s32 s5;
	_ =	sdelay $0x1  }
0xa2: {  	s23 =	simm.s32 $0x1B8B  }
0xa3: {  	_ =	swait.ge [sflag:s23], $0x1  }
0xa4: {  	[sflag:s23] =	ssyncset.done $0x0  }
0xa5: {  	s25 =	simm.s32 $0x1B8E;
	s24 =	sld [smem:$0x3FFE];
	[sflag:s23] =	ssyncadd.s32 $0xFFFFFFFF  }
0xa6: {  	s26 =	simm.s32 $execute0_lowered;
	[smem:$0x3FD2] =	sst s25  }
0xa7: {  	s6 =	sshll.u32 s26, $0x1;
	_ =	strace $0x80000046;
	[dreg:$0x1] =	wrdreg $0xFFFFFFFF  }
0xa8: {  	s28 =	simm.s32 $_size_execute0_lowered;
	s4 =	sadd.s32 s4, s6;
	[dreg:$0x0] =	wrdreg $0x0  }
0xa9: {  	s6 =	sshll.u32 s28, $0x1;
	[dreg:$0x2] =	wrdreg s4  }
0xaa: {  	[dreg:$0x3] =	wrdreg s6  }
0xab: {  	[dreg:$0x4] =	wrdreg $0xC0  }
0xac: {  	_ =	task [dreg:s8], $0x5FFFF  }
0xad: {  	[dreg:$0x1] =	wrdreg $0xFFFFFFFF  }
0xae: {  	[dreg:$0x0] =	wrdreg $0x60  }
0xaf: {  	[dreg:$0x2] =	wrdreg s2  }
0xb0: {  	[dreg:$0x3] =	wrdreg s18  }
0xb1: {  	[dreg:$0x4] =	wrdreg s24  }
0xb2: {  	[dreg:$0x5] =	wrdreg $0x0  }
0xb3: {  	[dreg:$0x6] =	wrdreg $0x13C000  }
0xb4: {  	[dreg:$0x7] =	wrdreg $0x9  }
0xb5: {  	_ =	task.clear_ibuf [dreg:s8], $0x8FFFF;
	_ =	strace $0x90000046  }
0xb6: {  	s29 =	simm.s32 $0x9;
	_ =	strace $0x80000048  }
0xb7: {  	_ =	swait.ge [sflag:s29], $0x1  }
0xb8: {  	[sflag:s29] =	ssyncadd.s32 $0xFFFFFFFF  }
0xb9: {  	_ =	strace $0x90000048  }
0xba: {  	_ =	sfence  }
0xbb: {  	s30 =	sld [smem:$0x0];
	_ =	sdelay $0x2  }
0xbc: {  	s31 =	sshll.u32 s1, $0xD;
	s1 =	sshrl.u32 s1, $0x2  }
0xbd: {  	s3 =	sand.u32 $0x4000, s31;
	s1 =	sadd.s32 s1, s30  }
0xbe: {  	s0 =	sor.u32 s3, s0;
	s1 =	sshll.u32 s1, $0x11  }
0xbf: {  	s0 =	sor.u32 s1, s0  }
0xc0: {  	s0 =	sadd.s32 $0x8F2B, s0  }
0xc1: {  	[sflag:s0] =	ssyncadd.remote.s32 $0x1  }
0xc2: {  	_ =	sfence.sel $0xFFFF  }
0xc3: {  	[dreg:$0x0] =	wrdreg $0xFFFFFFFF;
	(pc) =	sbr.abs _section_cstart, $3  }
0xc4: {  	[dreg:$0x1] =	wrdreg $0xFFFFFFFF  }
0xc5: {  	_ =	task.clear_ibuf [dreg:s8], $0x2FFFF;
	_ =	strace $0x9FFFFFFF  }
0xc6: {  	(tm) =	ssettm $0x7FFFFFFF  }
0xc7: {  	_ =	shalt  }
tec
execute0_lowered:
.L_overlay_start_1:
0x0: {  	(tag) =	ssettag $0x1  }
0x1: {  	s2 =	rddreg [dreg:$0x0]  }
0x2: {  	s0 =	rddreg [dreg:$0x1]  }
0x3: {  	s3 =	rddreg [dreg:$0x2]  }
0x4: {  	s1 =	rddreg [dreg:$0x3];
	s24 =	stileid.u32  }
0x5: {  	s5 =	srdreg.scid;
	s7 =	smul.u32 $0x278, s24  }
0x6: {  	s4 =	rddreg [dreg:$0x4];
	s21 =	simm.s32 $0x1;
	s18 =	smul.u32 $0x27, s24  }
0x7: {  	s6 =	sand.u32 $0x1, s5;
	s5 =	simm.s32 $0x0;
	s22 =	smul.u32 $0x13C00, s24  }
0x8: {  	s10 =	sadd.s32 $0x3800, s3;
	p0 =	sne.s32 s24, $0x0;
	s8 =	smul.u32 $0x2780, s6  }
0x9: {  	p1 =	seq.s32 s24, $0x0;
	[smem:$0x7FF] =	sst s5;
	s12 =	smul.u32 $0x271, s6  }
0xa: {  	s9 =	ssub.s32 $0x2, s6;
	s6 =	smul.u32 $0x13C000, s6;
	s21 =	simm.s32 @!p0 $0x0  }
0xb: {  	_ =	strace $0x80000047;
	s11 =	sshrl.u32 s9, $0x1;
	s13 =	sadd.s32 $0x80, s7  }
0xc: {  	s15 =	sadd.s32 $0x100, s7;
	s17 =	sadd.s32 $0x180, s7;
	s20 =	sadd.s32 $0x200, s7  }
0xd: {  	s9 =	ssub.s32 s9, s11;
	s11 =	smul.u32 $0x4F000, s24;
	s14 =	sshll.u32 s13, $0x7  }
0xe: {  	s16 =	sshll.u32 s15, $0x7;
	s12 =	sadd.s32 s18, s12;
	s25 =	sadd.s32 s22, s6  }
0xf: {  	s24 =	sadd.s32 s17, s4;
	s12 =	sadd.s32 s21, s12;
	s26 =	sadd.s32 s6, s14  }
0x10: {  	s18 =	sshrl.u32 s25, $0x3;
	[dreg:$0x17] =	wrdreg s24;
	s12 =	sshll.u32 s12, $0x6  }
0x11: {  	s21 =	sshrl.u32 s26, $0x3;
	s22 =	sadd.s32 s2, s12;
	s12 =	sadd.s32 s10, s18  }
0x12: {  	s19 =	sshll.u32 s17, $0x7;
	s18 =	sadd.s32 s10, s21;
	[dreg:$0x7] =	wrdreg s12  }
0x13: {  	s23 =	sshll.u32 s20, $0x7;
	s25 =	sadd.s32 s6, s19;
	[dreg:$0x8] =	wrdreg s18  }
0x14: {  	s21 =	sadd.s32 s6, s16;
	s18 =	sadd.s32 s16, s1;
	[dreg:$0x6] =	wrdreg s22  }
0x15: {  	s2 =	sshrl.u32 s21, $0x3;
	s21 =	sadd.s32 s19, s1;
	[dreg:$0xf] =	wrdreg s18  }
0x16: {  	s12 =	sshrl.u32 s25, $0x3;
	s25 =	sadd.s32 s23, s1;
	[dreg:$0x10] =	wrdreg s21  }
0x17: {  	s28 =	simm.s32 $0x13E78;
	s16 =	smax.u32 s9, $0x1;
	[dreg:$0x11] =	wrdreg s25  }
0x18: {  	s29 =	simm.s32 $0x13F78;
	s17 =	sadd.s32 $0x10, s22;
	[dreg:$0x1e] =	wrdreg s16  }
0x19: {  	s14 =	sadd.s32 s14, s1;
	s19 =	sadd.s32 $0x20, s22;
	[dreg:$0x1f] =	wrdreg s17  }
0x1a: {  	s6 =	sadd.s32 s6, s23;
	s23 =	smov.u32 s14;
	[smem:$0x7FA] =	sst s19  }
0x1b: {  	s30 =	simm.s32 $0x3;
	s2 =	sadd.s32 s10, s2;
	[dreg:$0xe] =	wrdreg s23  }
0x1c: {  	s6 =	sshrl.u32 s6, $0x3;
	s26 =	sadd.s32 s10, s12;
	[dreg:$0x9] =	wrdreg s2  }
0x1d: {  	s31 =	simm.s32 $0x80;
	s6 =	sadd.s32 s10, s6;
	[dreg:$0xa] =	wrdreg s26  }
0x1e: {  	s10 =	sshrl.u32 s11, $0x2;
	s11 =	sadd.s32 $0x2600, s3;
	[dreg:$0xb] =	wrdreg s6  }
0x1f: {  	s8 =	sadd.s32 s7, s8;
	s18 =	sadd.s32 $0x30, s22;
	[dreg:$0xc] =	wrdreg s11  }
0x20: {  	s8 =	sshrl.u32 s8, $0x3;
	s25 =	sadd.s32 $0x70, s22;
	[smem:$0x7F9] =	sst s18  }
0x21: {  	s12 =	sadd.s32 $0x1E00, s3;
	s21 =	sadd.s32 s15, s4;
	[smem:$0x7FB] =	sst s25  }
0x22: {  	s2 =	sadd.s32 s8, s3;
	s3 =	sadd.s32 $0x2400, s3;
	[dreg:$0x15] =	wrdreg s21  }
0x23: {  	s6 =	sadd.s32 s10, s1;
	s25 =	simm.s32 $0x0;
	[dreg:$0xd] =	wrdreg s3  }
0x24: {  	s26 =	sadd.s32 s7, s4;
	s10 =	sadd.s32 s13, s4;
	[smem:$0x7FD] =	sst s25  }
0x25: {  	s7 =	simm.s32 $0x27;
	s11 =	sadd.s32 s20, s4;
	[dreg:$0x13] =	wrdreg s10  }
0x26: {  	s9 =	simm.s32 $0x18178;
	s7 =	simm.s32 @!p1 $0x26;
	[dreg:$0x18] =	wrdreg s11  }
0x27: {  	s16 =	simm.s32 $0x5;
	s8 =	sadd.s32 $0x2E00, s2;
	[dreg:$0x16] =	wrdreg s7  }
0x28: {  	s17 =	simm.s32 $0x2;
	s13 =	sadd.s32 $0x2E10, s2;
	[dreg:$0x19] =	wrdreg s8  }
0x29: {  	s19 =	simm.s32 $0x6;
	s14 =	sadd.s32 $0x2E20, s2;
	[dreg:$0x1a] =	wrdreg s13  }
0x2a: {  	s18 =	simm.s32 $0x140F8;
	s15 =	sadd.s32 $0x2E30, s2;
	[dreg:$0x1b] =	wrdreg s14  }
0x2b: {  	s20 =	smov.u32 s26;
	s2 =	sadd.s32 $0x2E40, s2;
	[dreg:$0x1c] =	wrdreg s15  }
0x2c: {  	s3 =	simm.s32 $0x1;
	s26 =	sadd.s32 $0x50, s22;
	[dreg:$0x1d] =	wrdreg s2  }
0x2d: {  	s22 =	smov.u32 s6;
	s6 =	simm.s32 $0x1C1F8;
	[smem:$0x7FC] =	sst s26  }
0x2e: {  	s13 =	simm.s32 $0x14178;
	s14 =	simm.s32 $0x7;
	s26 =	simm.s32 $0x1C178  }
0x2f: {  	s2 =	simm.s32 $0x13EF8;
	s7 =	simm.s32 $0x13FF8;
	[dreg:$0x12] =	wrdreg s20  }
0x30: {  	s8 =	simm.s32 $0x4;
	s15 =	simm.s32 $0x14078;
	[dreg:$0x14] =	wrdreg s22  }
.LBB2_1:
0x31: {  	s25 =	smov.u32 s11  }
0x32: {  	s11 =	smov.u32 s24;
	s24 =	smov.u32 s10;
	s10 =	rddreg [dreg:$0xc]  }
0x33: {  	[tilespmem:s13], [sflag:$0x7] =	stream.linear.gather [hbm4b:s10+s5], $0x4000, $0x38;
	[tilespmem:$0x1C278] =	vst v63  }
0x34: {  	_ =	swait.ge [sflag:s14], $0x4000  }
0x35: {  	[sflag:s14] =	ssyncset.done $0x0  }
0x36: {  	s10 =	rddreg [dreg:$0xd];
	[sflag:s14] =	ssyncadd.s32 $0xFFFFC000  }
0x37: {  	[tilespmem:s26], [sflag:$0x7] =	stream.linear.gather [hbm4b:s10+s5], $0x80, $0x38;
	[tilespmem:$0x1C278] =	vst v63  }
0x38: {  	_ =	swait.ge [sflag:s14], $0x80  }
0x39: {  	[sflag:s14] =	ssyncset.done $0x0  }
0x3a: {  	[sflag:s14] =	ssyncadd.s32 $0xFFFFFF80  }
0x3b: {  	[spmem:s22] =	stream.linear.scatter [tilespmem:s13], [sflag:$0x7], $0x4000, $0x38;
	[tilespmem:$0x1C278] =	vst v63  }
0x3c: {  	_ =	swait.ge [sflag:s14], $0x4000  }
0x3d: {  	[sflag:s14] =	ssyncset.done $0x0  }
0x3e: {  	[sflag:s14] =	ssyncadd.s32 $0xFFFFC000  }
0x3f: {  	[spmem:s23] =	stream.linear.scatter [tilespmem:s13], [sflag:$0x7], $0x4000, $0x38;
	[tilespmem:$0x1C278] =	vst v63  }
0x40: {  	_ =	swait.ge [sflag:s14], $0x4000  }
0x41: {  	[sflag:s14] =	ssyncset.done $0x0  }
0x42: {  	s23 =	rddreg [dreg:$0xf];
	[sflag:s14] =	ssyncadd.s32 $0xFFFFC000  }
0x43: {  	[spmem:s23] =	stream.linear.scatter [tilespmem:s13], [sflag:$0x7], $0x4000, $0x38;
	[tilespmem:$0x1C278] =	vst v63  }
0x44: {  	_ =	swait.ge [sflag:s14], $0x4000  }
0x45: {  	[sflag:s14] =	ssyncset.done $0x0  }
0x46: {  	s22 =	rddreg [dreg:$0x10];
	[sflag:s14] =	ssyncadd.s32 $0xFFFFC000  }
0x47: {  	[spmem:s22] =	stream.linear.scatter [tilespmem:s13], [sflag:$0x7], $0x4000, $0x38;
	[tilespmem:$0x1C278] =	vst v63  }
0x48: {  	_ =	swait.ge [sflag:s14], $0x4000  }
0x49: {  	[sflag:s14] =	ssyncset.done $0x0  }
0x4a: {  	s23 =	rddreg [dreg:$0x11];
	[sflag:s14] =	ssyncadd.s32 $0xFFFFC000  }
0x4b: {  	[spmem:s23] =	stream.linear.scatter [tilespmem:s13], [sflag:$0x7], $0x3C00, $0x38;
	[tilespmem:$0x1C278] =	vst v63  }
0x4c: {  	_ =	swait.ge [sflag:s14], $0x3C00  }
0x4d: {  	[sflag:s14] =	ssyncset.done $0x0  }
0x4e: {  	[sflag:s14] =	ssyncadd.s32 $0xFFFFC400  }
0x4f: {  	[spmem:s20] =	stream.linear.scatter [tilespmem:s26], [sflag:$0x7], $0x80, $0x38;
	[tilespmem:$0x1C278] =	vst v63  }
0x50: {  	_ =	swait.ge [sflag:s14], $0x80  }
0x51: {  	[sflag:s14] =	ssyncset.done $0x0  }
0x52: {  	[sflag:s14] =	ssyncadd.s32 $0xFFFFFF80  }
0x53: {  	[spmem:s24] =	stream.linear.scatter [tilespmem:s26], [sflag:$0x7], $0x80, $0x38;
	[tilespmem:$0x1C278] =	vst v63  }
0x54: {  	_ =	swait.ge [sflag:s14], $0x80  }
0x55: {  	[sflag:s14] =	ssyncset.done $0x0  }
0x56: {  	[sflag:s14] =	ssyncadd.s32 $0xFFFFFF80  }
0x57: {  	[spmem:s21] =	stream.linear.scatter [tilespmem:s26], [sflag:$0x7], $0x80, $0x38;
	[tilespmem:$0x1C278] =	vst v63  }
0x58: {  	_ =	swait.ge [sflag:s14], $0x80  }
0x59: {  	[sflag:s14] =	ssyncset.done $0x0  }
0x5a: {  	[sflag:s14] =	ssyncadd.s32 $0xFFFFFF80  }
0x5b: {  	[spmem:s11] =	stream.linear.scatter [tilespmem:s26], [sflag:$0x7], $0x80, $0x38;
	[tilespmem:$0x1C278] =	vst v63  }
0x5c: {  	_ =	swait.ge [sflag:s14], $0x80  }
0x5d: {  	[sflag:s14] =	ssyncset.done $0x0  }
0x5e: {  	[sflag:s14] =	ssyncadd.s32 $0xFFFFFF80  }
0x5f: {  	[spmem:s25] =	stream.linear.scatter [tilespmem:s26], [sflag:$0x7], $0x78, $0x38;
	[tilespmem:$0x1C278] =	vst v63  }
0x60: {  	_ =	swait.ge [sflag:s14], $0x78  }
0x61: {  	[sflag:s14] =	ssyncset.done $0x0  }
0x62: {  	[sflag:s14] =	ssyncadd.s32 $0xFFFFFF88  }
0x63: {  	[bflag:$0x0] =	sbarrier.arrive $0xFFFF  }
0x64: {  	s20 =	rddreg [dreg:$0x1f]  }
0x65: {  	[tilespmem:s28], [sflag:$0x3] =	stream.linear.gather [hbm4b:s20+s5], $0x80, $0x38;
	[tilespmem:$0x1C278] =	vst v63  }
0x66: {  	s21 =	rddreg [dreg:$0x6]  }
0x67: {  	[tilespmem:s29], [sflag:$0x3] =	stream.linear.gather [hbm4b:s21+s5], $0x80, $0x38;
	[tilespmem:$0x1C278] =	vst v63  }
0x68: {  	_ =	swait.ge [sflag:s30], $0x80  }
0x69: {  	[sflag:s30] =	ssyncset.done $0x0  }
0x6a: {  	[sflag:s30] =	ssyncadd.s32 $0xFFFFFF80  }
0x6b: {  	_ =	swait.ge [sflag:s30], $0x80  }
0x6c: {  	[sflag:s30] =	ssyncset.done $0x0  }
0x6d: {  	[sflag:s30] =	ssyncadd.s32 $0xFFFFFF80  }
0x6e: {  	[tilespmem:s13], [sflag:$0x1] =	stream.indirect.gather [hbm4b:s0+s31], $0x80, s28, s31, $0xb8;
	[tilespmem:$0x1C278] =	vst v63  }
0x6f: {  	s22 =	sld [smem:$0x7F9]  }
0x70: {  	[tilespmem:s26], [sflag:$0x1] =	stream.indirect.gather [hbm4b:s12+s31], $0x1, s28, s31, $0xb8;
	[tilespmem:$0x1C278] =	vst v63  }
0x71: {  	s23 =	sld [smem:$0x7FA]  }
0x72: {  	[tilespmem:s2], [sflag:$0x4] =	stream.linear.gather [hbm4b:s22+s5], $0x80, $0x38;
	[tilespmem:$0x1C278] =	vst v63  }
0x73: {  	_ = 	snop  }
0x74: {  	[tilespmem:s7], [sflag:$0x4] =	stream.linear.gather [hbm4b:s23+s5], $0x80, $0x38;
	[tilespmem:$0x1C278] =	vst v63  }
0x75: {  	_ =	swait.ge [sflag:s8], $0x80  }
0x76: {  	[sflag:s8] =	ssyncset.done $0x0  }
0x77: {  	[sflag:s8] =	ssyncadd.s32 $0xFFFFFF80  }
0x78: {  	_ =	swait.ge [sflag:s8], $0x80  }
0x79: {  	[sflag:s8] =	ssyncset.done $0x0  }
0x7a: {  	[sflag:s8] =	ssyncadd.s32 $0xFFFFFF80  }
0x7b: {  	[tilespmem:s9], [sflag:$0x2] =	stream.indirect.gather [hbm4b:s0+s31], $0x80, s2, s31, $0xb8;
	[tilespmem:$0x1C278] =	vst v63  }
0x7c: {  	_ = 	snop  }
0x7d: {  	[tilespmem:s6], [sflag:$0x2] =	stream.indirect.gather [hbm4b:s12+s31], $0x1, s2, s31, $0xb8;
	[tilespmem:$0x1C278] =	vst v63  }
0x7e: {  	_ =	swait.ge [sflag:s3], $0x4000  }
0x7f: {  	[sflag:s3] =	ssyncset.done $0x0  }
0x80: {  	[sflag:s3] =	ssyncadd.s32 $0xFFFFC000  }
0x81: {  	_ =	swait.ge [sflag:s3], $0x80  }
0x82: {  	[sflag:s3] =	ssyncset.done $0x0  }
0x83: {  	[sflag:s3] =	ssyncadd.s32 $0xFFFFFF80  }
0x84: {  	v0 =	vld [tilespmem:$0x13FE8]  }
0x85: {  	v1 =	vld [tilespmem:$0x13FC8]  }
0x86: {  	v2 =	vld [tilespmem:$0x13FD8]  }
0x87: {  	v3 =	vld [tilespmem:$0x13FA8]  }
0x88: {  	v4 =	vld [tilespmem:$0x13FB8]  }
0x89: {  	v5 =	vld [tilespmem:$0x13F78];
	[tilespmem:$0x140E8] =	vst v0  }
0x8a: {  	v0 =	vld [tilespmem:$0x13F98];
	[tilespmem:$0x140C8] =	vst v1  }
0x8b: {  	v1 =	vld [tilespmem:$0x13F88];
	[tilespmem:$0x140D8] =	vst v2  }
0x8c: {  	[tilespmem:$0x140A8] =	vst v3  }
0x8d: {  	[tilespmem:$0x140B8] =	vst v4  }
0x8e: {  	s11 =	sld [smem:$0x7FC];
	[tilespmem:$0x14078] =	vst v5  }
0x8f: {  	[tilespmem:$0x14098] =	vst v0  }
0x90: {  	[tilespmem:$0x14088] =	vst v1  }
0x91: {  	[tilespmem:s28], [sflag:$0x3] =	stream.linear.gather [hbm4b:s11+s5], $0x80, $0x38;
	[tilespmem:$0x1C278] =	vst v63  }
0x92: {  	s24 =	sadd.s32 $0xFFFFFFF0, s11  }
0x93: {  	[tilespmem:s29], [sflag:$0x3] =	stream.linear.gather [hbm4b:s24+s5], $0x80, $0x38;
	[tilespmem:$0x1C278] =	vst v63  }
0x94: {  	_ = 	snop  }
0x95: {  	[spmem:s1] =	stream.indirect.scatter.add.f32 [tilespmem:s13], [sflag:$0x5], $0x80, s15, s31, $0xb8;
	[tilespmem:$0x1C278] =	vst v63  }
0x96: {  	_ = 	snop  }
0x97: {  	[spmem:s4] =	stream.indirect.scatter.add.f32 [tilespmem:s26], [sflag:$0x5], $0x1, s15, s31, $0xb8;
	[tilespmem:$0x1C278] =	vst v63  }
0x98: {  	_ =	swait.ge [sflag:s30], $0x80  }
0x99: {  	[sflag:s30] =	ssyncset.done $0x0  }
0x9a: {  	[sflag:s30] =	ssyncadd.s32 $0xFFFFFF80  }
0x9b: {  	_ =	swait.ge [sflag:s30], $0x80  }
0x9c: {  	[sflag:s30] =	ssyncset.done $0x0  }
0x9d: {  	[sflag:s30] =	ssyncadd.s32 $0xFFFFFF80  }
0x9e: {  	_ =	swait.ge [sflag:s16], $0x4000  }
0x9f: {  	[sflag:s16] =	ssyncset.done $0x0  }
0xa0: {  	[sflag:s16] =	ssyncadd.s32 $0xFFFFC000  }
0xa1: {  	_ =	swait.ge [sflag:s16], $0x80  }
0xa2: {  	[sflag:s16] =	ssyncset.done $0x0  }
0xa3: {  	[sflag:s16] =	ssyncadd.s32 $0xFFFFFF80  }
0xa4: {  	[tilespmem:s13], [sflag:$0x1] =	stream.indirect.gather [hbm4b:s0+s31], $0x80, s28, s31, $0xb8;
	[tilespmem:$0x1C278] =	vst v63  }
0xa5: {  	_ = 	snop  }
0xa6: {  	[tilespmem:s26], [sflag:$0x1] =	stream.indirect.gather [hbm4b:s12+s31], $0x1, s28, s31, $0xb8;
	[tilespmem:$0x1C278] =	vst v63  }
0xa7: {  	_ =	swait.ge [sflag:s17], $0x4000  }
0xa8: {  	[sflag:s17] =	ssyncset.done $0x0  }
0xa9: {  	[sflag:s17] =	ssyncadd.s32 $0xFFFFC000  }
0xaa: {  	_ =	swait.ge [sflag:s17], $0x80  }
0xab: {  	[sflag:s17] =	ssyncset.done $0x0  }
0xac: {  	[sflag:s17] =	ssyncadd.s32 $0xFFFFFF80  }
0xad: {  	v0 =	vld [tilespmem:$0x13FF8];
	_ =	sdelay $0x3  }
0xae: {  	v1 =	vld [tilespmem:$0x14008]  }
0xaf: {  	[tilespmem:$0x140F8] =	vst v0;
	v0 =	vld [tilespmem:$0x14048]  }
0xb0: {  	v2 =	vld [tilespmem:$0x14018]  }
0xb1: {  	v3 =	vld [tilespmem:$0x14068]  }
0xb2: {  	s25 =	rddreg [dreg:$0x16];
	v63 =	vld [tilespmem:$0x14058]  }
0xb3: {  	p1 =	sne.s32 s25, $0x1;
	[tilespmem:$0x14108] =	vst v1;
	v1 =	vld [tilespmem:$0x14028]  }
.Ltmp0:
0xb4: {  	[tilespmem:$0x14148] =	vst v0;
	v0 =	vld [tilespmem:$0x14038];
	(pc) =	sbr.rel @!p1 .LBB2_3-.Ltmp0, $4  }
0xb5: {  	s10 =	sld [smem:$0x7FB];
	[tilespmem:$0x14118] =	vst v2  }
0xb6: {  	[tilespmem:$0x14168] =	vst v3  }
0xb7: {  	[tilespmem:$0x14158] =	vst v63  }
0xb8: {  	s21 =	sadd.s32 $0xFFFFFFFF, s25;
	s22 =	smov.u32 s10;
	[tilespmem:$0x14128] =	vst v1  }
.LBB2_2:
0xb9: {  	p1 =	sne.s32 s21, $0x1;
	[tilespmem:$0x14138] =	vst v0;
	s22 =	sadd.s32 $0x40, s22;
	s11 =	sadd.s32 $0x40, s11  }
0xba: {  	[tilespmem:s2], [sflag:$0x4] =	stream.linear.gather [hbm4b:s10+s5], $0x80, $0x38;
	[tilespmem:$0x1C278] =	vst v63  }
0xbb: {  	s21 =	sadd.s32 $0xFFFFFFFF, s21;
	s23 =	sadd.s32 $0xFFFFFFF0, s10;
	s10 =	smov.u32 s22  }
0xbc: {  	[tilespmem:s7], [sflag:$0x4] =	stream.linear.gather [hbm4b:s23+s5], $0x80, $0x38;
	[tilespmem:$0x1C278] =	vst v63  }
0xbd: {  	_ = 	snop  }
0xbe: {  	[spmem:s1] =	stream.indirect.scatter.add.f32 [tilespmem:s9], [sflag:$0x6], $0x80, s18, s31, $0xb8;
	[tilespmem:$0x1C278] =	vst v63  }
0xbf: {  	_ = 	snop  }
0xc0: {  	[spmem:s4] =	stream.indirect.scatter.add.f32 [tilespmem:s6], [sflag:$0x6], $0x1, s18, s31, $0xb8;
	[tilespmem:$0x1C278] =	vst v63  }
0xc1: {  	_ =	swait.ge [sflag:s8], $0x80  }
0xc2: {  	[sflag:s8] =	ssyncset.done $0x0  }
0xc3: {  	[sflag:s8] =	ssyncadd.s32 $0xFFFFFF80  }
0xc4: {  	_ =	swait.ge [sflag:s8], $0x80  }
0xc5: {  	[sflag:s8] =	ssyncset.done $0x0  }
0xc6: {  	[sflag:s8] =	ssyncadd.s32 $0xFFFFFF80  }
0xc7: {  	_ =	swait.ge [sflag:s19], $0x4000  }
0xc8: {  	[sflag:s19] =	ssyncset.done $0x0  }
0xc9: {  	[sflag:s19] =	ssyncadd.s32 $0xFFFFC000  }
0xca: {  	_ =	swait.ge [sflag:s19], $0x80  }
0xcb: {  	[sflag:s19] =	ssyncset.done $0x0  }
0xcc: {  	[sflag:s19] =	ssyncadd.s32 $0xFFFFFF80  }
0xcd: {  	[tilespmem:s9], [sflag:$0x2] =	stream.indirect.gather [hbm4b:s0+s31], $0x80, s2, s31, $0xb8;
	[tilespmem:$0x1C278] =	vst v63  }
0xce: {  	_ = 	snop  }
0xcf: {  	[tilespmem:s6], [sflag:$0x2] =	stream.indirect.gather [hbm4b:s12+s31], $0x1, s2, s31, $0xb8;
	[tilespmem:$0x1C278] =	vst v63  }
0xd0: {  	_ =	swait.ge [sflag:s3], $0x4000  }
0xd1: {  	[sflag:s3] =	ssyncset.done $0x0  }
0xd2: {  	[sflag:s3] =	ssyncadd.s32 $0xFFFFC000  }
0xd3: {  	_ =	swait.ge [sflag:s3], $0x80  }
0xd4: {  	[sflag:s3] =	ssyncset.done $0x0  }
0xd5: {  	[sflag:s3] =	ssyncadd.s32 $0xFFFFFF80  }
0xd6: {  	v0 =	vld [tilespmem:$0x13FE8]  }
0xd7: {  	v1 =	vld [tilespmem:$0x13FC8]  }
0xd8: {  	v2 =	vld [tilespmem:$0x13FD8]  }
0xd9: {  	v3 =	vld [tilespmem:$0x13FA8]  }
0xda: {  	v4 =	vld [tilespmem:$0x13FB8]  }
0xdb: {  	v5 =	vld [tilespmem:$0x13F78];
	[tilespmem:$0x140E8] =	vst v0  }
0xdc: {  	v0 =	vld [tilespmem:$0x13F98];
	[tilespmem:$0x140C8] =	vst v1  }
0xdd: {  	v1 =	vld [tilespmem:$0x13F88];
	[tilespmem:$0x140D8] =	vst v2  }
0xde: {  	[tilespmem:$0x140A8] =	vst v3  }
0xdf: {  	[tilespmem:$0x140B8] =	vst v4  }
0xe0: {  	[tilespmem:$0x14078] =	vst v5  }
0xe1: {  	[tilespmem:$0x14098] =	vst v0  }
0xe2: {  	[tilespmem:$0x14088] =	vst v1  }
0xe3: {  	[tilespmem:s28], [sflag:$0x3] =	stream.linear.gather [hbm4b:s11+s5], $0x80, $0x38;
	[tilespmem:$0x1C278] =	vst v63  }
0xe4: {  	s23 =	sadd.s32 $0xFFFFFFF0, s11  }
0xe5: {  	[tilespmem:s29], [sflag:$0x3] =	stream.linear.gather [hbm4b:s23+s5], $0x80, $0x38;
	[tilespmem:$0x1C278] =	vst v63  }
0xe6: {  	_ = 	snop  }
0xe7: {  	[spmem:s1] =	stream.indirect.scatter.add.f32 [tilespmem:s13], [sflag:$0x5], $0x80, s15, s31, $0xb8;
	[tilespmem:$0x1C278] =	vst v63  }
0xe8: {  	_ = 	snop  }
0xe9: {  	[spmem:s4] =	stream.indirect.scatter.add.f32 [tilespmem:s26], [sflag:$0x5], $0x1, s15, s31, $0xb8;
	[tilespmem:$0x1C278] =	vst v63  }
0xea: {  	_ =	swait.ge [sflag:s30], $0x80  }
0xeb: {  	[sflag:s30] =	ssyncset.done $0x0  }
0xec: {  	[sflag:s30] =	ssyncadd.s32 $0xFFFFFF80  }
0xed: {  	_ =	swait.ge [sflag:s30], $0x80  }
0xee: {  	[sflag:s30] =	ssyncset.done $0x0  }
0xef: {  	[sflag:s30] =	ssyncadd.s32 $0xFFFFFF80  }
0xf0: {  	_ =	swait.ge [sflag:s16], $0x4000  }
0xf1: {  	[sflag:s16] =	ssyncset.done $0x0  }
0xf2: {  	[sflag:s16] =	ssyncadd.s32 $0xFFFFC000  }
0xf3: {  	_ =	swait.ge [sflag:s16], $0x80  }
0xf4: {  	[sflag:s16] =	ssyncset.done $0x0  }
0xf5: {  	[sflag:s16] =	ssyncadd.s32 $0xFFFFFF80  }
0xf6: {  	[tilespmem:s13], [sflag:$0x1] =	stream.indirect.gather [hbm4b:s0+s31], $0x80, s28, s31, $0xb8;
	[tilespmem:$0x1C278] =	vst v63  }
0xf7: {  	_ = 	snop  }
0xf8: {  	[tilespmem:s26], [sflag:$0x1] =	stream.indirect.gather [hbm4b:s12+s31], $0x1, s28, s31, $0xb8;
	[tilespmem:$0x1C278] =	vst v63  }
0xf9: {  	_ =	swait.ge [sflag:s17], $0x4000  }
0xfa: {  	[sflag:s17] =	ssyncset.done $0x0  }
0xfb: {  	[sflag:s17] =	ssyncadd.s32 $0xFFFFC000  }
0xfc: {  	_ =	swait.ge [sflag:s17], $0x80  }
0xfd: {  	[sflag:s17] =	ssyncset.done $0x0  }
0xfe: {  	[sflag:s17] =	ssyncadd.s32 $0xFFFFFF80  }
0xff: {  	v0 =	vld [tilespmem:$0x13FF8]  }
0x100: {  	v1 =	vld [tilespmem:$0x14008]  }
0x101: {  	v2 =	vld [tilespmem:$0x14018]  }
0x102: {  	v3 =	vld [tilespmem:$0x14068]  }
0x103: {  	v4 =	vld [tilespmem:$0x14058]  }
0x104: {  	[tilespmem:$0x140F8] =	vst v0;
	v5 =	vld [tilespmem:$0x14048]  }
0x105: {  	[tilespmem:$0x14108] =	vst v1;
	v1 =	vld [tilespmem:$0x14028]  }
.Ltmp1:
0x106: {  	[tilespmem:$0x14118] =	vst v2;
	v0 =	vld [tilespmem:$0x14038];
	(pc) =	sbr.rel @p1 .LBB2_2-.Ltmp1, $4  }
0x107: {  	[tilespmem:$0x14168] =	vst v3  }
0x108: {  	[tilespmem:$0x14158] =	vst v4  }
0x109: {  	[tilespmem:$0x14148] =	vst v5  }
0x10a: {  	[tilespmem:$0x14128] =	vst v1  }
.LBB2_3:
0x10b: {  	[tilespmem:$0x14138] =	vst v0  }
0x10c: {  	[tilespmem:s2], [sflag:$0x4] =	stream.linear.gather [hbm4b:s10+s5], $0x80, $0x38;
	[tilespmem:$0x1C278] =	vst v63  }
0x10d: {  	s21 =	sadd.s32 $0xFFFFFFF0, s10  }
0x10e: {  	[tilespmem:s7], [sflag:$0x4] =	stream.linear.gather [hbm4b:s21+s5], $0x80, $0x38;
	[tilespmem:$0x1C278] =	vst v63  }
0x10f: {  	_ = 	snop  }
0x110: {  	[spmem:s1] =	stream.indirect.scatter.add.f32 [tilespmem:s9], [sflag:$0x6], $0x80, s18, s31, $0xb8;
	[tilespmem:$0x1C278] =	vst v63  }
0x111: {  	_ = 	snop  }
0x112: {  	[spmem:s4] =	stream.indirect.scatter.add.f32 [tilespmem:s6], [sflag:$0x6], $0x1, s18, s31, $0xb8;
	[tilespmem:$0x1C278] =	vst v63  }
0x113: {  	_ =	swait.ge [sflag:s8], $0x80  }
0x114: {  	[sflag:s8] =	ssyncset.done $0x0  }
0x115: {  	[sflag:s8] =	ssyncadd.s32 $0xFFFFFF80  }
0x116: {  	_ =	swait.ge [sflag:s8], $0x80  }
0x117: {  	[sflag:s8] =	ssyncset.done $0x0  }
0x118: {  	[sflag:s8] =	ssyncadd.s32 $0xFFFFFF80  }
0x119: {  	_ =	swait.ge [sflag:s19], $0x4000  }
0x11a: {  	[sflag:s19] =	ssyncset.done $0x0  }
0x11b: {  	[sflag:s19] =	ssyncadd.s32 $0xFFFFC000  }
0x11c: {  	_ =	swait.ge [sflag:s19], $0x80  }
0x11d: {  	[sflag:s19] =	ssyncset.done $0x0  }
0x11e: {  	[sflag:s19] =	ssyncadd.s32 $0xFFFFFF80  }
0x11f: {  	[tilespmem:s9], [sflag:$0x2] =	stream.indirect.gather [hbm4b:s0+s31], $0x80, s2, s31, $0xb8;
	[tilespmem:$0x1C278] =	vst v63  }
0x120: {  	_ = 	snop  }
0x121: {  	[tilespmem:s6], [sflag:$0x2] =	stream.indirect.gather [hbm4b:s12+s31], $0x1, s2, s31, $0xb8;
	[tilespmem:$0x1C278] =	vst v63  }
0x122: {  	_ =	swait.ge [sflag:s3], $0x4000  }
0x123: {  	[sflag:s3] =	ssyncset.done $0x0  }
0x124: {  	[sflag:s3] =	ssyncadd.s32 $0xFFFFC000  }
0x125: {  	_ =	swait.ge [sflag:s3], $0x80  }
0x126: {  	[sflag:s3] =	ssyncset.done $0x0  }
0x127: {  	[sflag:s3] =	ssyncadd.s32 $0xFFFFFF80  }
0x128: {  	[spmem:s1] =	stream.indirect.scatter.add.f32 [tilespmem:s13], [sflag:$0x5], $0x80, s29, s31, $0xb8;
	[tilespmem:$0x1C278] =	vst v63  }
0x129: {  	_ = 	snop  }
0x12a: {  	[spmem:s4] =	stream.indirect.scatter.add.f32 [tilespmem:s26], [sflag:$0x5], $0x1, s29, s31, $0xb8;
	[tilespmem:$0x1C278] =	vst v63  }
0x12b: {  	_ =	swait.ge [sflag:s17], $0x4000  }
0x12c: {  	[sflag:s17] =	ssyncset.done $0x0  }
0x12d: {  	[sflag:s17] =	ssyncadd.s32 $0xFFFFC000  }
0x12e: {  	_ =	swait.ge [sflag:s17], $0x80  }
0x12f: {  	[sflag:s17] =	ssyncset.done $0x0  }
0x130: {  	[sflag:s17] =	ssyncadd.s32 $0xFFFFFF80  }
0x131: {  	[spmem:s1] =	stream.indirect.scatter.add.f32 [tilespmem:s9], [sflag:$0x6], $0x80, s7, s31, $0xb8;
	[tilespmem:$0x1C278] =	vst v63  }
0x132: {  	_ = 	snop  }
0x133: {  	[spmem:s4] =	stream.indirect.scatter.add.f32 [tilespmem:s6], [sflag:$0x6], $0x1, s7, s31, $0xb8;
	[tilespmem:$0x1C278] =	vst v63  }
0x134: {  	_ =	swait.ge [sflag:s16], $0x4000  }
0x135: {  	[sflag:s16] =	ssyncset.done $0x0  }
0x136: {  	[sflag:s16] =	ssyncadd.s32 $0xFFFFC000  }
0x137: {  	_ =	swait.ge [sflag:s16], $0x80  }
0x138: {  	[sflag:s16] =	ssyncset.done $0x0  }
0x139: {  	[sflag:s16] =	ssyncadd.s32 $0xFFFFFF80  }
0x13a: {  	_ =	swait.ge [sflag:s19], $0x4000  }
0x13b: {  	[sflag:s19] =	ssyncset.done $0x0  }
0x13c: {  	[sflag:s19] =	ssyncadd.s32 $0xFFFFC000  }
0x13d: {  	_ =	swait.ge [sflag:s19], $0x80  }
0x13e: {  	[sflag:s19] =	ssyncset.done $0x0  }
0x13f: {  	[sflag:s19] =	ssyncadd.s32 $0xFFFFFF80  }
0x140: {  	s22 =	stileid.u32;
	[bflag:$0x0] =	sbarrier.arrive $0xFFFF  }
0x141: {  	s10 =	sshll.u32 s22, $0x6;
	s22 =	rddreg [dreg:$0x14]  }
0x142: {  	s10 =	sor.u32 $0x1C07, s10;
	s21 =	rddreg [dreg:$0x7];
	s11 =	sshrl.u32 s22, $0x3  }
0x143: {  	[hbm:s21], [sflag:s10] =	dma.local [spmem:s11], $0x800  }
0x144: {  	_ =	swait.ge [sflag:s14], $0x800  }
0x145: {  	[sflag:s14] =	ssyncset.done $0x0;
	s23 =	rddreg [dreg:$0xe]  }
0x146: {  	s24 =	rddreg [dreg:$0x8];
	[sflag:s14] =	ssyncadd.s32 $0xFFFFF800;
	s11 =	sshrl.u32 s23, $0x3  }
0x147: {  	[hbm:s24], [sflag:s10] =	dma.local [spmem:s11], $0x800  }
0x148: {  	_ =	swait.ge [sflag:s14], $0x800  }
0x149: {  	[sflag:s14] =	ssyncset.done $0x0;
	s25 =	rddreg [dreg:$0xf]  }
0x14a: {  	s20 =	rddreg [dreg:$0x9];
	[sflag:s14] =	ssyncadd.s32 $0xFFFFF800;
	s11 =	sshrl.u32 s25, $0x3  }
0x14b: {  	[hbm:s20], [sflag:s10] =	dma.local [spmem:s11], $0x800  }
0x14c: {  	_ =	swait.ge [sflag:s14], $0x800  }
0x14d: {  	[sflag:s14] =	ssyncset.done $0x0;
	s23 =	rddreg [dreg:$0x10]  }
0x14e: {  	s24 =	rddreg [dreg:$0xa];
	[sflag:s14] =	ssyncadd.s32 $0xFFFFF800;
	s11 =	sshrl.u32 s23, $0x3  }
0x14f: {  	[hbm:s24], [sflag:s10] =	dma.local [spmem:s11], $0x800  }
0x150: {  	_ =	swait.ge [sflag:s14], $0x800  }
0x151: {  	[sflag:s14] =	ssyncset.done $0x0;
	s25 =	rddreg [dreg:$0x11]  }
0x152: {  	s20 =	rddreg [dreg:$0xb];
	[sflag:s14] =	ssyncadd.s32 $0xFFFFF800;
	s11 =	sshrl.u32 s25, $0x3  }
0x153: {  	[hbm:s20], [sflag:s10] =	dma.local [spmem:s11], $0x780  }
0x154: {  	_ =	swait.ge [sflag:s14], $0x780  }
0x155: {  	[sflag:s14] =	ssyncset.done $0x0  }
0x156: {  	s20 =	rddreg [dreg:$0x12];
	[sflag:s14] =	ssyncadd.s32 $0xFFFFF880  }
0x157: {  	[tilespmem:s26], [sflag:$0x7] =	stream.linear.gather [spmem:s20], $0x80, $0x38;
	[tilespmem:$0x1C278] =	vst v63  }
0x158: {  	_ =	swait.ge [sflag:s14], $0x80  }
0x159: {  	[sflag:s14] =	ssyncset.done $0x0  }
0x15a: {  	s21 =	rddreg [dreg:$0x19];
	[sflag:s14] =	ssyncadd.s32 $0xFFFFFF80  }
0x15b: {  	[hbm4b:s21+s5] =	stream.linear.scatter [tilespmem:s26], [sflag:$0x7], $0x80, $0x38;
	[tilespmem:$0x1C278] =	vst v63  }
0x15c: {  	_ =	swait.ge [sflag:s14], $0x80  }
0x15d: {  	[sflag:s14] =	ssyncset.done $0x0  }
0x15e: {  	s10 =	rddreg [dreg:$0x13];
	[sflag:s14] =	ssyncadd.s32 $0xFFFFFF80  }
0x15f: {  	[tilespmem:s26], [sflag:$0x7] =	stream.linear.gather [spmem:s10], $0x80, $0x38;
	[tilespmem:$0x1C278] =	vst v63  }
0x160: {  	_ =	swait.ge [sflag:s14], $0x80  }
0x161: {  	[sflag:s14] =	ssyncset.done $0x0  }
0x162: {  	s23 =	rddreg [dreg:$0x1a];
	[sflag:s14] =	ssyncadd.s32 $0xFFFFFF80  }
0x163: {  	[hbm4b:s23+s5] =	stream.linear.scatter [tilespmem:s26], [sflag:$0x7], $0x80, $0x38;
	[tilespmem:$0x1C278] =	vst v63  }
0x164: {  	_ =	swait.ge [sflag:s14], $0x80  }
0x165: {  	[sflag:s14] =	ssyncset.done $0x0  }
0x166: {  	s21 =	rddreg [dreg:$0x15];
	[sflag:s14] =	ssyncadd.s32 $0xFFFFFF80  }
0x167: {  	[tilespmem:s26], [sflag:$0x7] =	stream.linear.gather [spmem:s21], $0x80, $0x38;
	[tilespmem:$0x1C278] =	vst v63  }
0x168: {  	_ =	swait.ge [sflag:s14], $0x80  }
0x169: {  	[sflag:s14] =	ssyncset.done $0x0  }
0x16a: {  	s24 =	rddreg [dreg:$0x1b];
	[sflag:s14] =	ssyncadd.s32 $0xFFFFFF80  }
0x16b: {  	[hbm4b:s24+s5] =	stream.linear.scatter [tilespmem:s26], [sflag:$0x7], $0x80, $0x38;
	[tilespmem:$0x1C278] =	vst v63  }
0x16c: {  	_ =	swait.ge [sflag:s14], $0x80  }
0x16d: {  	[sflag:s14] =	ssyncset.done $0x0  }
0x16e: {  	s24 =	rddreg [dreg:$0x17];
	[sflag:s14] =	ssyncadd.s32 $0xFFFFFF80  }
0x16f: {  	[tilespmem:s26], [sflag:$0x7] =	stream.linear.gather [spmem:s24], $0x80, $0x38;
	[tilespmem:$0x1C278] =	vst v63  }
0x170: {  	_ =	swait.ge [sflag:s14], $0x80  }
0x171: {  	[sflag:s14] =	ssyncset.done $0x0  }
0x172: {  	s25 =	rddreg [dreg:$0x1c];
	[sflag:s14] =	ssyncadd.s32 $0xFFFFFF80  }
0x173: {  	[hbm4b:s25+s5] =	stream.linear.scatter [tilespmem:s26], [sflag:$0x7], $0x80, $0x38;
	[tilespmem:$0x1C278] =	vst v63  }
0x174: {  	_ =	swait.ge [sflag:s14], $0x80  }
0x175: {  	[sflag:s14] =	ssyncset.done $0x0  }
0x176: {  	s11 =	rddreg [dreg:$0x18];
	[sflag:s14] =	ssyncadd.s32 $0xFFFFFF80  }
0x177: {  	[tilespmem:s26], [sflag:$0x7] =	stream.linear.gather [spmem:s11], $0x78, $0x38;
	[tilespmem:$0x1C278] =	vst v63  }
0x178: {  	_ =	swait.ge [sflag:s14], $0x78  }
0x179: {  	[sflag:s14] =	ssyncset.done $0x0  }
0x17a: {  	s25 =	rddreg [dreg:$0x1d];
	[sflag:s14] =	ssyncadd.s32 $0xFFFFFF88  }
0x17b: {  	[hbm4b:s25+s5] =	stream.linear.scatter [tilespmem:s26], [sflag:$0x7], $0x78, $0x38;
	[tilespmem:$0x1C278] =	vst v63  }
0x17c: {  	_ =	swait.ge [sflag:s14], $0x78  }
0x17d: {  	s23 =	sld [smem:$0x7FD];
	_ =	sdelay $0x2  }
0x17e: {  	s25 =	rddreg [dreg:$0x1e];
	s23 =	sadd.s32 $0x1, s23  }
0x17f: {  	p1 =	sne.s32 s23, s25  }
.Ltmp2:
0x180: {  	_ = 	snop;
	(pc) =	sbr.rel @p1 .LBB2_1-.Ltmp2, $3  }
0x181: {  	_ =	sdelay $0x1  }
0x182: {  	[sflag:s14] =	ssyncset.done $0x0;
	[smem:$0x7FD] =	sst s23  }
0x183: {  	[sflag:s14] =	ssyncadd.s32 $0xFFFFFF88;
	s23 =	rddreg [dreg:$0xe]  }
0x184: {  	_ =	sfence.sel $0x180000  }
0x185: {  	[bflag:$0x0] =	sbarrier.arrive $0xFFFF  }
0x186: {  	_ =	strace $0x90000047  }
0x187: {  	[bflag:$0x2] =	sbarrier.arrive $0xFFFF  }
0x188: {  	s0 =	rddreg [dreg:$0x5]  }
0x189: {  	s0 =	sadd.s32 @!p0 $0x100000, s0  }
0x18a: {  	[sflag:s0] =	ssyncadd.tile.s32 @!p0 $0x1;
	_ =	shalt  }
.Lfunc_end2:
_tile_overlayer_lowered:
.L_overlay_start_2:
0x18b: {  	(tag) =	ssettag $0x2  }
0x18c: {  	s0 =	rddreg [dreg:$0x0];
	s2 =	stileid.u32  }
0x18d: {  	s1 =	rddreg [dreg:$0x1];
	p0 =	sne.s32 s2, $0x0  }
0x18e: {  	s3 =	rddreg [dreg:$0x2];
	[bflag:$0x3] =	sbarrier.arrive $0xFFFF;
	s2 =	simm.s32 @!p0 $0x1C07  }
0x18f: {  	[timem:s3], [sflag:s2] =	dma.local @!p0 [hbm:s0], s1  }
0x190: {  	s0 =	simm.s32 @!p0 $0x7  }
0x191: {  	_ =	swait.ge @!p0 [sflag:s0], s1  }
0x192: {  	s1 =	ssub.s32 @!p0 $0x0, s1;
	[sflag:s0] =	ssyncset.done @!p0 $0x0  }
0x193: {  	[sflag:s0] =	ssyncadd.s32 @!p0 s1  }
0x194: {  	[bflag:$0x3] =	sbarrier.arrive $0xFFFF  }
0x195: {  	_ =	shalt  }

</sc_bundles>
